<compile_context>
chip_gen: v7x
topology: tpu7x:2x2x1
jax: 0.10.2.dev20260603
libtpu: 0.0.44.dev20260713+nightly
codegen_flags: <defaults>
</compile_context>

<pallas_src>
import functools
from math import sqrt

import jax
import jax.numpy as jnp
from jax import lax
from jax.experimental import pallas as pl
from jax.experimental.pallas import tpu as pltpu
from jax.experimental.pallas import tpu_sc as plsc

_NC = 2
_NS = 16
_NW = _NC * _NS
_LANES = 16
_NBUF = 2


def _sc_body(xf, pef, out, xin, pein, xout, sx0, sx1, sp0, sp1, so0, so1, *,
             base_row, rows_per_worker, chunk_rows, d, seq, scale):
    w = lax.axis_index("s") * _NC + lax.axis_index("c")
    row0 = w * rows_per_worker
    pe_row0 = lax.rem(base_row + row0, seq)
    ce = chunk_rows * d
    nchunks = rows_per_worker // chunk_rows
    sx = (sx0, sx1)
    sp = (sp0, sp1)
    so = (so0, so1)

    def in_copies(c, b):
        off = (base_row * d) + (row0 + c * chunk_rows) * d
        pe_off = (pe_row0 + c * chunk_rows) * d
        cx = pltpu.make_async_copy(xf.at[pl.ds(off, ce)], xin.at[b], sx[b])
        cp = pltpu.make_async_copy(pef.at[pl.ds(pe_off, ce)], pein.at[b],
                                   sp[b])
        return cx, cp

    def out_copy(c, b):
        off = (row0 + c * chunk_rows) * d
        return pltpu.make_async_copy(xout.at[b], out.at[pl.ds(off, ce)],
                                     so[b])

    for b in range(_NBUF):
        cx, cp = in_copies(b, b)
        cx.start()
        cp.start()

    def chunk(c0, _):
        for b in range(_NBUF):
            c = c0 * _NBUF + b
            cx, cp = in_copies(c, b)
            cx.wait()
            cp.wait()

            @pl.when(c >= _NBUF)
            def _():
                out_copy(c - _NBUF, b).wait()

            @plsc.parallel_loop(0, ce, step=_LANES, unroll=8)
            def _(i):
                sl = pl.ds(i, _LANES)
                xout[b, sl] = xin[b, sl] * scale + pein[b, sl]

            out_copy(c, b).start()

            @pl.when(c + _NBUF < nchunks)
            def _():
                ncx, ncp = in_copies(c + _NBUF, b)
                ncx.start()
                ncp.start()
        return 0

    lax.fori_loop(0, nchunks // _NBUF, chunk, 0)

    for b in range(_NBUF):
        out_copy(nchunks - _NBUF + b, b).wait()


def _sc_shard(xf, pe, base_row, rows, chunk_rows=16):
    seq, d = pe.shape
    scale = sqrt(float(d))
    n = rows * d
    rows_per_worker = rows // _NW
    ce = chunk_rows * d

    sc_fn = pl.kernel(
        functools.partial(
            _sc_body,
            base_row=base_row,
            rows_per_worker=rows_per_worker,
            chunk_rows=chunk_rows,
            d=d,
            seq=seq,
            scale=scale,
        ),
        out_type=jax.ShapeDtypeStruct((n,), jnp.float32),
        mesh=plsc.VectorSubcoreMesh(core_axis_name="c", subcore_axis_name="s"),
        scratch_types=[
            pltpu.VMEM((_NBUF, ce), jnp.float32),
            pltpu.VMEM((_NBUF, ce), jnp.float32),
            pltpu.VMEM((_NBUF, ce), jnp.float32),
            pltpu.SemaphoreType.DMA,
            pltpu.SemaphoreType.DMA,
            pltpu.SemaphoreType.DMA,
            pltpu.SemaphoreType.DMA,
            pltpu.SemaphoreType.DMA,
            pltpu.SemaphoreType.DMA,
        ],
    )
    return sc_fn(xf, pe.reshape(seq * d)).reshape(rows, d)


def _tc_kernel(x_ref, pe_ref, out_ref, *, scale):
    out_ref[...] = x_ref[...] * scale + pe_ref[...]


def _tc_shard(x, pe, n_batch, blk_s=2048):
    batch, seq, d = x.shape
    scale = sqrt(float(d))
    grid = (seq // blk_s, n_batch)
    return pl.pallas_call(
        functools.partial(_tc_kernel, scale=scale),
        grid=grid,
        in_specs=[
            pl.BlockSpec((1, blk_s, d), lambda i, j: (j, i, 0)),
            pl.BlockSpec((blk_s, d), lambda i, j: (i, 0)),
        ],
        out_specs=pl.BlockSpec((1, blk_s, d), lambda i, j: (j, i, 0)),
        out_shape=jax.ShapeDtypeStruct((n_batch, seq, d), x.dtype),
        compiler_params=pltpu.CompilerParams(
            dimension_semantics=("parallel", "parallel"),
            vmem_limit_bytes=128 * 1024 * 1024,
        ),
    )(x, pe)


def kernel(x, emb_table):
    batch, seq, d = x.shape
    pe = emb_table[:seq]
    n_tc = batch - 1

    out_sc = _sc_shard(x.reshape(batch * seq * d), pe, n_tc * seq, seq)
    out_tc = _tc_shard(x, pe, n_tc)
    return jnp.concatenate([out_tc, out_sc[None]], axis=0)

# --- scband reference (transcript-rebuilt; emitter-appended) ---
"""Pipeline reference for scband-positional-embeddings-18219251269881 (READ-ONLY COPY).

The authoritative reference and input builder live on the scoring server;
editing this copy changes nothing except your own understanding.
"""

import jax, jax.numpy as jnp
import numpy as np
from math import sqrt

D_MODEL = 1024
MAX_LEN = 8192
BATCH = 4
SEQ = 8192

def setup_inputs(seed: int = 0) -> dict:
    key = jax.random.key(seed)
    k1, k2 = jax.random.split(key)
    x = jax.random.normal(k1, (BATCH, SEQ, D_MODEL), dtype=jnp.float32)
    emb_table = jax.random.normal(k2, (MAX_LEN, D_MODEL), dtype=jnp.float32) * 0.02
    return {"x": x, "emb_table": emb_table}

def reference(x, emb_table):
    # PositionalEmbeddings.forward: scale token embeddings by sqrt(d_model),
    # add learned positional embedding for positions 0..seq_len-1, dropout (eval: identity).
    seq_len = x.shape[1]
    positions = jnp.arange(seq_len)
    pe = jnp.take(emb_table, positions, axis=0)  # [S, d_model] embedding lookup
    out = x * sqrt(float(x.shape[-1])) + pe[None, :, :]
    # dropout with p=0.0 (or eval mode) is identity
    return out

if __name__ == "__main__":
    import jax
    _d = setup_inputs()
    print(jax.jit(kernel)(*tuple(_d.values())))

</pallas_src>

<mosaic_0001>
#map = affine_map<(d0, d1) -> (0)>
module attributes {stable_mosaic.version = 14 : i64} {
  func.func @_sc_body(%arg0: i32, %arg1: i32, %arg2: memref<33554432xf32, #tpu.memory_space<hbm>>, %arg3: memref<8388608xf32, #tpu.memory_space<hbm>>, %arg4: memref<8388608xf32, #tpu.memory_space<hbm>>, %arg5: memref<2x16384xf32, #tpu.memory_space<vmem>>, %arg6: memref<2x16384xf32, #tpu.memory_space<vmem>>, %arg7: memref<2x16384xf32, #tpu.memory_space<vmem>>, %arg8: memref<!tpu.dma_semaphore, #tpu.memory_space<semaphore_mem>>, %arg9: memref<!tpu.dma_semaphore, #tpu.memory_space<semaphore_mem>>, %arg10: memref<!tpu.dma_semaphore, #tpu.memory_space<semaphore_mem>>, %arg11: memref<!tpu.dma_semaphore, #tpu.memory_space<semaphore_mem>>, %arg12: memref<!tpu.dma_semaphore, #tpu.memory_space<semaphore_mem>>, %arg13: memref<!tpu.dma_semaphore, #tpu.memory_space<semaphore_mem>>) attributes {dimension_semantics = [#tpu.dimension_semantics<core_parallel>, #tpu.dimension_semantics<subcore_parallel>], iteration_bounds = array<i64: 2, 16>, scalar_prefetch = 0 : i64, scratch_operands = 9 : i64, tpu.core_type = #tpu.core_type<sc_vector_subcore>, window_params = [{transform_indices = #map}, {transform_indices = #map}, {transform_indices = #map}]} {
    %mul3A = arith.constant 2 : i32
    %mul3A_0 = arith.muli %arg1, %mul3A : i32
    %add3A = arith.addi %mul3A_0, %arg0 : i32
    %mul3A_1 = arith.constant 256 : i32
    %mul3A_2 = arith.muli %add3A, %mul3A_1 : i32
    %add3A_3 = arith.constant 24576 : i32
    %add3A_4 = arith.addi %add3A_3, %mul3A_2 : i32
    %rem3A = arith.constant 8192 : i32
    %rem3A_5 = arith.remsi %add3A_4, %rem3A : i32
    %add3A_6 = arith.constant 0 : i32
    %add3A_7 = arith.addi %mul3A_2, %add3A_6 : i32
    %mul3A_8 = arith.constant 1024 : i32
    %mul3A_9 = arith.muli %add3A_7, %mul3A_8 : i32
    %add3A_10 = arith.constant 25165824 : i32
    %add3A_11 = arith.addi %add3A_10, %mul3A_9 : i32
    %add3A_12 = arith.constant 0 : i32
    %add3A_13 = arith.addi %rem3A_5, %add3A_12 : i32
    %mul3A_14 = arith.constant 1024 : i32
    %mul3A_15 = arith.muli %add3A_13, %mul3A_14 : i32
    %dma_start3A = arith.constant 0 : i32
    %dma_start3A_16 = arith.constant 0 : i32
    %dma_start3A_17 = tpu.memref_slice %arg5[%dma_start3A, %dma_start3A_16] : memref<2x16384xf32, #tpu.memory_space<vmem>> -> memref<1x16384xf32, #tpu.memory_space<vmem>>
    %dma_start3A_18 = tpu.memref_squeeze %dma_start3A_17 : memref<1x16384xf32, #tpu.memory_space<vmem>> -> memref<16384xf32, #tpu.memory_space<vmem>>
    %dma_start3A_19 = tpu.memref_slice %arg2[%add3A_11] : memref<33554432xf32, #tpu.memory_space<hbm>> -> memref<16384xf32, #tpu.memory_space<hbm>>
    %dma_start3A_20 = arith.constant 0 : i32
    %dma_start3A_21 = tpu.memref_slice %arg5[%dma_start3A, %dma_start3A_20] : memref<2x16384xf32, #tpu.memory_space<vmem>> -> memref<1x16384xf32, #tpu.memory_space<vmem>>
    %dma_start3A_22 = tpu.memref_squeeze %dma_start3A_21 : memref<1x16384xf32, #tpu.memory_space<vmem>> -> memref<16384xf32, #tpu.memory_space<vmem>>
    %dma_start3A_23 = tpu.memref_slice %arg2[%add3A_11] : memref<33554432xf32, #tpu.memory_space<hbm>> -> memref<16384xf32, #tpu.memory_space<hbm>>
    tpu.enqueue_dma source(%dma_start3A_23 : memref<16384xf32, #tpu.memory_space<hbm>>) target(%dma_start3A_22 : memref<16384xf32, #tpu.memory_space<vmem>>) target_semaphore(%arg8 : memref<!tpu.dma_semaphore, #tpu.memory_space<semaphore_mem>>)
    %dma_start3A_24 = arith.constant 0 : i32
    %dma_start3A_25 = arith.constant 0 : i32
    %dma_start3A_26 = tpu.memref_slice %arg6[%dma_start3A_24, %dma_start3A_25] : memref<2x16384xf32, #tpu.memory_space<vmem>> -> memref<1x16384xf32, #tpu.memory_space<vmem>>
    %dma_start3A_27 = tpu.memref_squeeze %dma_start3A_26 : memref<1x16384xf32, #tpu.memory_space<vmem>> -> memref<16384xf32, #tpu.memory_space<vmem>>
    %dma_start3A_28 = tpu.memref_slice %arg3[%mul3A_15] : memref<8388608xf32, #tpu.memory_space<hbm>> -> memref<16384xf32, #tpu.memory_space<hbm>>
    %dma_start3A_29 = arith.constant 0 : i32
    %dma_start3A_30 = tpu.memref_slice %arg6[%dma_start3A_24, %dma_start3A_29] : memref<2x16384xf32, #tpu.memory_space<vmem>> -> memref<1x16384xf32, #tpu.memory_space<vmem>>
    %dma_start3A_31 = tpu.memref_squeeze %dma_start3A_30 : memref<1x16384xf32, #tpu.memory_space<vmem>> -> memref<16384xf32, #tpu.memory_space<vmem>>
    %dma_start3A_32 = tpu.memref_slice %arg3[%mul3A_15] : memref<8388608xf32, #tpu.memory_space<hbm>> -> memref<16384xf32, #tpu.memory_space<hbm>>
    tpu.enqueue_dma source(%dma_start3A_32 : memref<16384xf32, #tpu.memory_space<hbm>>) target(%dma_start3A_31 : memref<16384xf32, #tpu.memory_space<vmem>>) target_semaphore(%arg10 : memref<!tpu.dma_semaphore, #tpu.memory_space<semaphore_mem>>)
    %add3A_33 = arith.constant 16 : i32
    %add3A_34 = arith.addi %mul3A_2, %add3A_33 : i32
    %mul3A_35 = arith.constant 1024 : i32
    %mul3A_36 = arith.muli %add3A_34, %mul3A_35 : i32
    %add3A_37 = arith.constant 25165824 : i32
    %add3A_38 = arith.addi %add3A_37, %mul3A_36 : i32
    %add3A_39 = arith.constant 16 : i32
    %add3A_40 = arith.addi %rem3A_5, %add3A_39 : i32
    %mul3A_41 = arith.constant 1024 : i32
    %mul3A_42 = arith.muli %add3A_40, %mul3A_41 : i32
    %dma_start3A_43 = arith.constant 1 : i32
    %dma_start3A_44 = arith.constant 0 : i32
    %dma_start3A_45 = tpu.memref_slice %arg5[%dma_start3A_43, %dma_start3A_44] : memref<2x16384xf32, #tpu.memory_space<vmem>> -> memref<1x16384xf32, #tpu.memory_space<vmem>>
    %dma_start3A_46 = tpu.memref_squeeze %dma_start3A_45 : memref<1x16384xf32, #tpu.memory_space<vmem>> -> memref<16384xf32, #tpu.memory_space<vmem>>
    %dma_start3A_47 = tpu.memref_slice %arg2[%add3A_38] : memref<33554432xf32, #tpu.memory_space<hbm>> -> memref<16384xf32, #tpu.memory_space<hbm>>
    %dma_start3A_48 = arith.constant 0 : i32
    %dma_start3A_49 = tpu.memref_slice %arg5[%dma_start3A_43, %dma_start3A_48] : memref<2x16384xf32, #tpu.memory_space<vmem>> -> memref<1x16384xf32, #tpu.memory_space<vmem>>
    %dma_start3A_50 = tpu.memref_squeeze %dma_start3A_49 : memref<1x16384xf32, #tpu.memory_space<vmem>> -> memref<16384xf32, #tpu.memory_space<vmem>>
    %dma_start3A_51 = tpu.memref_slice %arg2[%add3A_38] : memref<33554432xf32, #tpu.memory_space<hbm>> -> memref<16384xf32, #tpu.memory_space<hbm>>
    tpu.enqueue_dma source(%dma_start3A_51 : memref<16384xf32, #tpu.memory_space<hbm>>) target(%dma_start3A_50 : memref<16384xf32, #tpu.memory_space<vmem>>) target_semaphore(%arg9 : memref<!tpu.dma_semaphore, #tpu.memory_space<semaphore_mem>>)
    %dma_start3A_52 = arith.constant 1 : i32
    %dma_start3A_53 = arith.constant 0 : i32
    %dma_start3A_54 = tpu.memref_slice %arg6[%dma_start3A_52, %dma_start3A_53] : memref<2x16384xf32, #tpu.memory_space<vmem>> -> memref<1x16384xf32, #tpu.memory_space<vmem>>
    %dma_start3A_55 = tpu.memref_squeeze %dma_start3A_54 : memref<1x16384xf32, #tpu.memory_space<vmem>> -> memref<16384xf32, #tpu.memory_space<vmem>>
    %dma_start3A_56 = tpu.memref_slice %arg3[%mul3A_42] : memref<8388608xf32, #tpu.memory_space<hbm>> -> memref<16384xf32, #tpu.memory_space<hbm>>
    %dma_start3A_57 = arith.constant 0 : i32
    %dma_start3A_58 = tpu.memref_slice %arg6[%dma_start3A_52, %dma_start3A_57] : memref<2x16384xf32, #tpu.memory_space<vmem>> -> memref<1x16384xf32, #tpu.memory_space<vmem>>
    %dma_start3A_59 = tpu.memref_squeeze %dma_start3A_58 : memref<1x16384xf32, #tpu.memory_space<vmem>> -> memref<16384xf32, #tpu.memory_space<vmem>>
    %dma_start3A_60 = tpu.memref_slice %arg3[%mul3A_42] : memref<8388608xf32, #tpu.memory_space<hbm>> -> memref<16384xf32, #tpu.memory_space<hbm>>
    tpu.enqueue_dma source(%dma_start3A_60 : memref<16384xf32, #tpu.memory_space<hbm>>) target(%dma_start3A_59 : memref<16384xf32, #tpu.memory_space<vmem>>) target_semaphore(%arg11 : memref<!tpu.dma_semaphore, #tpu.memory_space<semaphore_mem>>)
    %scan3A = arith.constant 0 : i32
    %scan3A_61 = arith.constant 0 : i32
    %scan3A_62 = arith.constant 8 : i32
    %scan3A_63 = arith.addi %scan3A_61, %scan3A_62 : i32
    %scan3A_64 = arith.constant 1 : i32
    %scan3A_65 = scf.for %scan3A_92 = %scan3A_61 to %scan3A_63 step %scan3A_64 iter_args(%scan3A_93 = %scan3A) -> (i32)  : i32 {
      %mul3A_94 = arith.constant 2 : i32
      %mul3A_95 = arith.muli %scan3A_92, %mul3A_94 : i32
      %add3A_96 = arith.constant 0 : i32
      %add3A_97 = arith.addi %mul3A_95, %add3A_96 : i32
      %mul3A_98 = arith.constant 16 : i32
      %mul3A_99 = arith.muli %add3A_97, %mul3A_98 : i32
      %add3A_100 = arith.addi %mul3A_2, %mul3A_99 : i32
      %mul3A_101 = arith.constant 1024 : i32
      %mul3A_102 = arith.muli %add3A_100, %mul3A_101 : i32
      %add3A_103 = arith.constant 25165824 : i32
      %add3A_104 = arith.addi %add3A_103, %mul3A_102 : i32
      %mul3A_105 = arith.constant 16 : i32
      %mul3A_106 = arith.muli %add3A_97, %mul3A_105 : i32
      %add3A_107 = arith.addi %rem3A_5, %mul3A_106 : i32
      %mul3A_108 = arith.constant 1024 : i32
      %mul3A_109 = arith.muli %add3A_107, %mul3A_108 : i32
      %dma_wait3A_110 = arith.constant 0 : i32
      %dma_wait3A_111 = arith.constant 0 : i32
      %dma_wait3A_112 = tpu.memref_slice %arg5[%dma_wait3A_110, %dma_wait3A_111] : memref<2x16384xf32, #tpu.memory_space<vmem>> -> memref<1x16384xf32, #tpu.memory_space<vmem>>
      %dma_wait3A_113 = tpu.memref_squeeze %dma_wait3A_112 : memref<1x16384xf32, #tpu.memory_space<vmem>> -> memref<16384xf32, #tpu.memory_space<vmem>>
      %dma_wait3A_114 = tpu.memref_slice %arg2[%add3A_104] : memref<33554432xf32, #tpu.memory_space<hbm>> -> memref<16384xf32, #tpu.memory_space<hbm>>
      %dma_wait3A_115 = arith.constant 0 : i32
      %dma_wait3A_116 = tpu.memref_slice %arg5[%dma_wait3A_110, %dma_wait3A_115] : memref<2x16384xf32, #tpu.memory_space<vmem>> -> memref<1x16384xf32, #tpu.memory_space<vmem>>
      %dma_wait3A_117 = tpu.memref_squeeze %dma_wait3A_116 : memref<1x16384xf32, #tpu.memory_space<vmem>> -> memref<16384xf32, #tpu.memory_space<vmem>>
      %dma_wait3A_118 = tpu.memref_slice %arg2[%add3A_104] : memref<33554432xf32, #tpu.memory_space<hbm>> -> memref<16384xf32, #tpu.memory_space<hbm>>
      tpu.wait_dma2 semaphore(%arg8 : memref<!tpu.dma_semaphore, #tpu.memory_space<semaphore_mem>>) src(%dma_wait3A_118 : memref<16384xf32, #tpu.memory_space<hbm>>) dst(%dma_wait3A_117 : memref<16384xf32, #tpu.memory_space<vmem>>)
      %dma_wait3A_119 = arith.constant 0 : i32
      %dma_wait3A_120 = arith.constant 0 : i32
      %dma_wait3A_121 = tpu.memref_slice %arg6[%dma_wait3A_119, %dma_wait3A_120] : memref<2x16384xf32, #tpu.memory_space<vmem>> -> memref<1x16384xf32, #tpu.memory_space<vmem>>
      %dma_wait3A_122 = tpu.memref_squeeze %dma_wait3A_121 : memref<1x16384xf32, #tpu.memory_space<vmem>> -> memref<16384xf32, #tpu.memory_space<vmem>>
      %dma_wait3A_123 = tpu.memref_slice %arg3[%mul3A_109] : memref<8388608xf32, #tpu.memory_space<hbm>> -> memref<16384xf32, #tpu.memory_space<hbm>>
      %dma_wait3A_124 = arith.constant 0 : i32
      %dma_wait3A_125 = tpu.memref_slice %arg6[%dma_wait3A_119, %dma_wait3A_124] : memref<2x16384xf32, #tpu.memory_space<vmem>> -> memref<1x16384xf32, #tpu.memory_space<vmem>>
      %dma_wait3A_126 = tpu.memref_squeeze %dma_wait3A_125 : memref<1x16384xf32, #tpu.memory_space<vmem>> -> memref<16384xf32, #tpu.memory_space<vmem>>
      %dma_wait3A_127 = tpu.memref_slice %arg3[%mul3A_109] : memref<8388608xf32, #tpu.memory_space<hbm>> -> memref<16384xf32, #tpu.memory_space<hbm>>
      tpu.wait_dma2 semaphore(%arg10 : memref<!tpu.dma_semaphore, #tpu.memory_space<semaphore_mem>>) src(%dma_wait3A_127 : memref<16384xf32, #tpu.memory_space<hbm>>) dst(%dma_wait3A_126 : memref<16384xf32, #tpu.memory_space<vmem>>)
      %ge3A = arith.constant 2 : i32
      %ge3A_128 = arith.cmpi sge, %add3A_97, %ge3A : i32
      %convert_element_type3A = arith.extui %ge3A_128 : i1 to i32
      %cond3A = arith.constant 0 : i32
      %cond3A_129 = arith.cmpi ne, %convert_element_type3A, %cond3A : i32
      scf.if %cond3A_129 {
        %sub3A = arith.constant 2 : i32
        %sub3A_216 = arith.subi %add3A_97, %sub3A : i32
        %mul3A_217 = arith.constant 16 : i32
        %mul3A_218 = arith.muli %sub3A_216, %mul3A_217 : i32
        %add3A_219 = arith.addi %mul3A_2, %mul3A_218 : i32
        %mul3A_220 = arith.constant 1024 : i32
        %mul3A_221 = arith.muli %add3A_219, %mul3A_220 : i32
        %dma_wait3A_222 = arith.constant 0 : i32
        %dma_wait3A_223 = arith.constant 0 : i32
        %dma_wait3A_224 = tpu.memref_slice %arg7[%dma_wait3A_222, %dma_wait3A_223] : memref<2x16384xf32, #tpu.memory_space<vmem>> -> memref<1x16384xf32, #tpu.memory_space<vmem>>
        %dma_wait3A_225 = tpu.memref_squeeze %dma_wait3A_224 : memref<1x16384xf32, #tpu.memory_space<vmem>> -> memref<16384xf32, #tpu.memory_space<vmem>>
        %dma_wait3A_226 = tpu.memref_slice %arg4[%mul3A_221] : memref<8388608xf32, #tpu.memory_space<hbm>> -> memref<16384xf32, #tpu.memory_space<hbm>>
        %dma_wait3A_227 = tpu.memref_slice %arg4[%mul3A_221] : memref<8388608xf32, #tpu.memory_space<hbm>> -> memref<16384xf32, #tpu.memory_space<hbm>>
        %dma_wait3A_228 = arith.constant 0 : i32
        %dma_wait3A_229 = tpu.memref_slice %arg7[%dma_wait3A_222, %dma_wait3A_228] : memref<2x16384xf32, #tpu.memory_space<vmem>> -> memref<1x16384xf32, #tpu.memory_space<vmem>>
        %dma_wait3A_230 = tpu.memref_squeeze %dma_wait3A_229 : memref<1x16384xf32, #tpu.memory_space<vmem>> -> memref<16384xf32, #tpu.memory_space<vmem>>
        tpu.wait_dma2 semaphore(%arg12 : memref<!tpu.dma_semaphore, #tpu.memory_space<semaphore_mem>>) src(%dma_wait3A_230 : memref<16384xf32, #tpu.memory_space<vmem>>) dst(%dma_wait3A_227 : memref<16384xf32, #tpu.memory_space<hbm>>)
      } else {
      }
      %parallel_loop3A = arith.constant 0 : i32
      %parallel_loop3A_130 = arith.constant 16384 : i32
      %parallel_loop3A_131 = arith.constant 16 : i32
      scf.for %parallel_loop3A_216 = %parallel_loop3A to %parallel_loop3A_130 step %parallel_loop3A_131  : i32 {
        %parallel_loop3A_217 = arith.constant 0 : i32
        %parallel_loop3A_218 = arith.index_cast %parallel_loop3A_217 : i32 to index
        %parallel_loop3A_219 = arith.index_cast %parallel_loop3A_216 : i32 to index
        %parallel_loop3A_220 = tpu.vector_load %arg5[%parallel_loop3A_218, %parallel_loop3A_219] {strides = array<i32>} : memref<2x16384xf32, #tpu.memory_space<vmem>>, vector<1x16xf32>,
        %parallel_loop3A_221 = vector.shape_cast %parallel_loop3A_220 : vector<1x16xf32> to vector<16xf32>
        %parallel_loop3A_222 = arith.constant 3.200000e+01 : f32
        %parallel_loop3A_223 = vector.broadcast %parallel_loop3A_222 : f32 to vector<16xf32>
        %parallel_loop3A_224 = arith.mulf %parallel_loop3A_221, %parallel_loop3A_223 : vector<16xf32>
        %parallel_loop3A_225 = arith.constant 0 : i32
        %parallel_loop3A_226 = arith.index_cast %parallel_loop3A_225 : i32 to index
        %parallel_loop3A_227 = arith.index_cast %parallel_loop3A_216 : i32 to index
        %parallel_loop3A_228 = tpu.vector_load %arg6[%parallel_loop3A_226, %parallel_loop3A_227] {strides = array<i32>} : memref<2x16384xf32, #tpu.memory_space<vmem>>, vector<1x16xf32>,
        %parallel_loop3A_229 = vector.shape_cast %parallel_loop3A_228 : vector<1x16xf32> to vector<16xf32>
        %parallel_loop3A_230 = arith.addf %parallel_loop3A_224, %parallel_loop3A_229 : vector<16xf32>
        %parallel_loop3A_231 = arith.constant 0 : i32
        %parallel_loop3A_232 = arith.index_cast %parallel_loop3A_231 : i32 to index
        %parallel_loop3A_233 = arith.index_cast %parallel_loop3A_216 : i32 to index
        %parallel_loop3A_234 = tpu.vector_load %arg7[%parallel_loop3A_232, %parallel_loop3A_233] {strides = array<i32>} : memref<2x16384xf32, #tpu.memory_space<vmem>>, vector<1x16xf32>,
        %parallel_loop3A_235 = vector.shape_cast %parallel_loop3A_234 : vector<1x16xf32> to vector<16xf32>
        %parallel_loop3A_236 = vector.shape_cast %parallel_loop3A_230 : vector<16xf32> to vector<1x16xf32>
        tpu.vector_store %arg7[%parallel_loop3A_232, %parallel_loop3A_233], %parallel_loop3A_236 {strides = array<i32>} : memref<2x16384xf32, #tpu.memory_space<vmem>>, vector<1x16xf32>,
      } {sc.loop_unroll_factor = 8 : i64, sc.parallel_access}
      %mul3A_132 = arith.constant 16 : i32
      %mul3A_133 = arith.muli %add3A_97, %mul3A_132 : i32
      %add3A_134 = arith.addi %mul3A_2, %mul3A_133 : i32
      %mul3A_135 = arith.constant 1024 : i32
      %mul3A_136 = arith.muli %add3A_134, %mul3A_135 : i32
      %dma_start3A_137 = arith.constant 0 : i32
      %dma_start3A_138 = arith.constant 0 : i32
      %dma_start3A_139 = tpu.memref_slice %arg7[%dma_start3A_137, %dma_start3A_138] : memref<2x16384xf32, #tpu.memory_space<vmem>> -> memref<1x16384xf32, #tpu.memory_space<vmem>>
      %dma_start3A_140 = tpu.memref_squeeze %dma_start3A_139 : memref<1x16384xf32, #tpu.memory_space<vmem>> -> memref<16384xf32, #tpu.memory_space<vmem>>
      %dma_start3A_141 = tpu.memref_slice %arg4[%mul3A_136] : memref<8388608xf32, #tpu.memory_space<hbm>> -> memref<16384xf32, #tpu.memory_space<hbm>>
      %dma_start3A_142 = tpu.memref_slice %arg4[%mul3A_136] : memref<8388608xf32, #tpu.memory_space<hbm>> -> memref<16384xf32, #tpu.memory_space<hbm>>
      %dma_start3A_143 = arith.constant 0 : i32
      %dma_start3A_144 = tpu.memref_slice %arg7[%dma_start3A_137, %dma_start3A_143] : memref<2x16384xf32, #tpu.memory_space<vmem>> -> memref<1x16384xf32, #tpu.memory_space<vmem>>
      %dma_start3A_145 = tpu.memref_squeeze %dma_start3A_144 : memref<1x16384xf32, #tpu.memory_space<vmem>> -> memref<16384xf32, #tpu.memory_space<vmem>>
      tpu.enqueue_dma source(%dma_start3A_145 : memref<16384xf32, #tpu.memory_space<vmem>>) target(%dma_start3A_142 : memref<16384xf32, #tpu.memory_space<hbm>>) target_semaphore(%arg12 : memref<!tpu.dma_semaphore, #tpu.memory_space<semaphore_mem>>)
      %add3A_146 = arith.constant 2 : i32
      %add3A_147 = arith.addi %add3A_97, %add3A_146 : i32
      %lt3A = arith.constant 16 : i32
      %lt3A_148 = arith.cmpi slt, %add3A_147, %lt3A : i32
      %convert_element_type3A_149 = arith.extui %lt3A_148 : i1 to i32
      %cond3A_150 = arith.constant 0 : i32
      %cond3A_151 = arith.cmpi ne, %convert_element_type3A_149, %cond3A_150 : i32
      scf.if %cond3A_151 {
        %add3A_216 = arith.constant 2 : i32
        %add3A_217 = arith.addi %add3A_97, %add3A_216 : i32
        %mul3A_218 = arith.constant 16 : i32
        %mul3A_219 = arith.muli %add3A_217, %mul3A_218 : i32
        %add3A_220 = arith.addi %mul3A_2, %mul3A_219 : i32
        %mul3A_221 = arith.constant 1024 : i32
        %mul3A_222 = arith.muli %add3A_220, %mul3A_221 : i32
        %add3A_223 = arith.constant 25165824 : i32
        %add3A_224 = arith.addi %add3A_223, %mul3A_222 : i32
        %mul3A_225 = arith.constant 16 : i32
        %mul3A_226 = arith.muli %add3A_217, %mul3A_225 : i32
        %add3A_227 = arith.addi %rem3A_5, %mul3A_226 : i32
        %mul3A_228 = arith.constant 1024 : i32
        %mul3A_229 = arith.muli %add3A_227, %mul3A_228 : i32
        %dma_start3A_230 = arith.constant 0 : i32
        %dma_start3A_231 = arith.constant 0 : i32
        %dma_start3A_232 = tpu.memref_slice %arg5[%dma_start3A_230, %dma_start3A_231] : memref<2x16384xf32, #tpu.memory_space<vmem>> -> memref<1x16384xf32, #tpu.memory_space<vmem>>
        %dma_start3A_233 = tpu.memref_squeeze %dma_start3A_232 : memref<1x16384xf32, #tpu.memory_space<vmem>> -> memref<16384xf32, #tpu.memory_space<vmem>>
        %dma_start3A_234 = tpu.memref_slice %arg2[%add3A_224] : memref<33554432xf32, #tpu.memory_space<hbm>> -> memref<16384xf32, #tpu.memory_space<hbm>>
        %dma_start3A_235 = arith.constant 0 : i32
        %dma_start3A_236 = tpu.memref_slice %arg5[%dma_start3A_230, %dma_start3A_235] : memref<2x16384xf32, #tpu.memory_space<vmem>> -> memref<1x16384xf32, #tpu.memory_space<vmem>>
        %dma_start3A_237 = tpu.memref_squeeze %dma_start3A_236 : memref<1x16384xf32, #tpu.memory_space<vmem>> -> memref<16384xf32, #tpu.memory_space<vmem>>
        %dma_start3A_238 = tpu.memref_slice %arg2[%add3A_224] : memref<33554432xf32, #tpu.memory_space<hbm>> -> memref<16384xf32, #tpu.memory_space<hbm>>
        tpu.enqueue_dma source(%dma_start3A_238 : memref<16384xf32, #tpu.memory_space<hbm>>) target(%dma_start3A_237 : memref<16384xf32, #tpu.memory_space<vmem>>) target_semaphore(%arg8 : memref<!tpu.dma_semaphore, #tpu.memory_space<semaphore_mem>>)
        %dma_start3A_239 = arith.constant 0 : i32
        %dma_start3A_240 = arith.constant 0 : i32
        %dma_start3A_241 = tpu.memref_slice %arg6[%dma_start3A_239, %dma_start3A_240] : memref<2x16384xf32, #tpu.memory_space<vmem>> -> memref<1x16384xf32, #tpu.memory_space<vmem>>
        %dma_start3A_242 = tpu.memref_squeeze %dma_start3A_241 : memref<1x16384xf32, #tpu.memory_space<vmem>> -> memref<16384xf32, #tpu.memory_space<vmem>>
        %dma_start3A_243 = tpu.memref_slice %arg3[%mul3A_229] : memref<8388608xf32, #tpu.memory_space<hbm>> -> memref<16384xf32, #tpu.memory_space<hbm>>
        %dma_start3A_244 = arith.constant 0 : i32
        %dma_start3A_245 = tpu.memref_slice %arg6[%dma_start3A_239, %dma_start3A_244] : memref<2x16384xf32, #tpu.memory_space<vmem>> -> memref<1x16384xf32, #tpu.memory_space<vmem>>
        %dma_start3A_246 = tpu.memref_squeeze %dma_start3A_245 : memref<1x16384xf32, #tpu.memory_space<vmem>> -> memref<16384xf32, #tpu.memory_space<vmem>>
        %dma_start3A_247 = tpu.memref_slice %arg3[%mul3A_229] : memref<8388608xf32, #tpu.memory_space<hbm>> -> memref<16384xf32, #tpu.memory_space<hbm>>
        tpu.enqueue_dma source(%dma_start3A_247 : memref<16384xf32, #tpu.memory_space<hbm>>) target(%dma_start3A_246 : memref<16384xf32, #tpu.memory_space<vmem>>) target_semaphore(%arg10 : memref<!tpu.dma_semaphore, #tpu.memory_space<semaphore_mem>>)
      } else {
      }
      %mul3A_152 = arith.constant 2 : i32
      %mul3A_153 = arith.muli %scan3A_92, %mul3A_152 : i32
      %add3A_154 = arith.constant 1 : i32
      %add3A_155 = arith.addi %mul3A_153, %add3A_154 : i32
      %mul3A_156 = arith.constant 16 : i32
      %mul3A_157 = arith.muli %add3A_155, %mul3A_156 : i32
      %add3A_158 = arith.addi %mul3A_2, %mul3A_157 : i32
      %mul3A_159 = arith.constant 1024 : i32
      %mul3A_160 = arith.muli %add3A_158, %mul3A_159 : i32
      %add3A_161 = arith.constant 25165824 : i32
      %add3A_162 = arith.addi %add3A_161, %mul3A_160 : i32
      %mul3A_163 = arith.constant 16 : i32
      %mul3A_164 = arith.muli %add3A_155, %mul3A_163 : i32
      %add3A_165 = arith.addi %rem3A_5, %mul3A_164 : i32
      %mul3A_166 = arith.constant 1024 : i32
      %mul3A_167 = arith.muli %add3A_165, %mul3A_166 : i32
      %dma_wait3A_168 = arith.constant 1 : i32
      %dma_wait3A_169 = arith.constant 0 : i32
      %dma_wait3A_170 = tpu.memref_slice %arg5[%dma_wait3A_168, %dma_wait3A_169] : memref<2x16384xf32, #tpu.memory_space<vmem>> -> memref<1x16384xf32, #tpu.memory_space<vmem>>
      %dma_wait3A_171 = tpu.memref_squeeze %dma_wait3A_170 : memref<1x16384xf32, #tpu.memory_space<vmem>> -> memref<16384xf32, #tpu.memory_space<vmem>>
      %dma_wait3A_172 = tpu.memref_slice %arg2[%add3A_162] : memref<33554432xf32, #tpu.memory_space<hbm>> -> memref<16384xf32, #tpu.memory_space<hbm>>
      %dma_wait3A_173 = arith.constant 0 : i32
      %dma_wait3A_174 = tpu.memref_slice %arg5[%dma_wait3A_168, %dma_wait3A_173] : memref<2x16384xf32, #tpu.memory_space<vmem>> -> memref<1x16384xf32, #tpu.memory_space<vmem>>
      %dma_wait3A_175 = tpu.memref_squeeze %dma_wait3A_174 : memref<1x16384xf32, #tpu.memory_space<vmem>> -> memref<16384xf32, #tpu.memory_space<vmem>>
      %dma_wait3A_176 = tpu.memref_slice %arg2[%add3A_162] : memref<33554432xf32, #tpu.memory_space<hbm>> -> memref<16384xf32, #tpu.memory_space<hbm>>
      tpu.wait_dma2 semaphore(%arg9 : memref<!tpu.dma_semaphore, #tpu.memory_space<semaphore_mem>>) src(%dma_wait3A_176 : memref<16384xf32, #tpu.memory_space<hbm>>) dst(%dma_wait3A_175 : memref<16384xf32, #tpu.memory_space<vmem>>)
      %dma_wait3A_177 = arith.constant 1 : i32
      %dma_wait3A_178 = arith.constant 0 : i32
      %dma_wait3A_179 = tpu.memref_slice %arg6[%dma_wait3A_177, %dma_wait3A_178] : memref<2x16384xf32, #tpu.memory_space<vmem>> -> memref<1x16384xf32, #tpu.memory_space<vmem>>
      %dma_wait3A_180 = tpu.memref_squeeze %dma_wait3A_179 : memref<1x16384xf32, #tpu.memory_space<vmem>> -> memref<16384xf32, #tpu.memory_space<vmem>>
      %dma_wait3A_181 = tpu.memref_slice %arg3[%mul3A_167] : memref<8388608xf32, #tpu.memory_space<hbm>> -> memref<16384xf32, #tpu.memory_space<hbm>>
      %dma_wait3A_182 = arith.constant 0 : i32
      %dma_wait3A_183 = tpu.memref_slice %arg6[%dma_wait3A_177, %dma_wait3A_182] : memref<2x16384xf32, #tpu.memory_space<vmem>> -> memref<1x16384xf32, #tpu.memory_space<vmem>>
      %dma_wait3A_184 = tpu.memref_squeeze %dma_wait3A_183 : memref<1x16384xf32, #tpu.memory_space<vmem>> -> memref<16384xf32, #tpu.memory_space<vmem>>
      %dma_wait3A_185 = tpu.memref_slice %arg3[%mul3A_167] : memref<8388608xf32, #tpu.memory_space<hbm>> -> memref<16384xf32, #tpu.memory_space<hbm>>
      tpu.wait_dma2 semaphore(%arg11 : memref<!tpu.dma_semaphore, #tpu.memory_space<semaphore_mem>>) src(%dma_wait3A_185 : memref<16384xf32, #tpu.memory_space<hbm>>) dst(%dma_wait3A_184 : memref<16384xf32, #tpu.memory_space<vmem>>)
      %ge3A_186 = arith.constant 2 : i32
      %ge3A_187 = arith.cmpi sge, %add3A_155, %ge3A_186 : i32
      %convert_element_type3A_188 = arith.extui %ge3A_187 : i1 to i32
      %cond3A_189 = arith.constant 0 : i32
      %cond3A_190 = arith.cmpi ne, %convert_element_type3A_188, %cond3A_189 : i32
      scf.if %cond3A_190 {
        %sub3A = arith.constant 2 : i32
        %sub3A_216 = arith.subi %add3A_155, %sub3A : i32
        %mul3A_217 = arith.constant 16 : i32
        %mul3A_218 = arith.muli %sub3A_216, %mul3A_217 : i32
        %add3A_219 = arith.addi %mul3A_2, %mul3A_218 : i32
        %mul3A_220 = arith.constant 1024 : i32
        %mul3A_221 = arith.muli %add3A_219, %mul3A_220 : i32
        %dma_wait3A_222 = arith.constant 1 : i32
        %dma_wait3A_223 = arith.constant 0 : i32
        %dma_wait3A_224 = tpu.memref_slice %arg7[%dma_wait3A_222, %dma_wait3A_223] : memref<2x16384xf32, #tpu.memory_space<vmem>> -> memref<1x16384xf32, #tpu.memory_space<vmem>>
        %dma_wait3A_225 = tpu.memref_squeeze %dma_wait3A_224 : memref<1x16384xf32, #tpu.memory_space<vmem>> -> memref<16384xf32, #tpu.memory_space<vmem>>
        %dma_wait3A_226 = tpu.memref_slice %arg4[%mul3A_221] : memref<8388608xf32, #tpu.memory_space<hbm>> -> memref<16384xf32, #tpu.memory_space<hbm>>
        %dma_wait3A_227 = tpu.memref_slice %arg4[%mul3A_221] : memref<8388608xf32, #tpu.memory_space<hbm>> -> memref<16384xf32, #tpu.memory_space<hbm>>
        %dma_wait3A_228 = arith.constant 0 : i32
        %dma_wait3A_229 = tpu.memref_slice %arg7[%dma_wait3A_222, %dma_wait3A_228] : memref<2x16384xf32, #tpu.memory_space<vmem>> -> memref<1x16384xf32, #tpu.memory_space<vmem>>
        %dma_wait3A_230 = tpu.memref_squeeze %dma_wait3A_229 : memref<1x16384xf32, #tpu.memory_space<vmem>> -> memref<16384xf32, #tpu.memory_space<vmem>>
        tpu.wait_dma2 semaphore(%arg13 : memref<!tpu.dma_semaphore, #tpu.memory_space<semaphore_mem>>) src(%dma_wait3A_230 : memref<16384xf32, #tpu.memory_space<vmem>>) dst(%dma_wait3A_227 : memref<16384xf32, #tpu.memory_space<hbm>>)
      } else {
      }
      %parallel_loop3A_191 = arith.constant 0 : i32
      %parallel_loop3A_192 = arith.constant 16384 : i32
      %parallel_loop3A_193 = arith.constant 16 : i32
      scf.for %parallel_loop3A_216 = %parallel_loop3A_191 to %parallel_loop3A_192 step %parallel_loop3A_193  : i32 {
        %parallel_loop3A_217 = arith.constant 1 : i32
        %parallel_loop3A_218 = arith.index_cast %parallel_loop3A_217 : i32 to index
        %parallel_loop3A_219 = arith.index_cast %parallel_loop3A_216 : i32 to index
        %parallel_loop3A_220 = tpu.vector_load %arg5[%parallel_loop3A_218, %parallel_loop3A_219] {strides = array<i32>} : memref<2x16384xf32, #tpu.memory_space<vmem>>, vector<1x16xf32>,
        %parallel_loop3A_221 = vector.shape_cast %parallel_loop3A_220 : vector<1x16xf32> to vector<16xf32>
        %parallel_loop3A_222 = arith.constant 3.200000e+01 : f32
        %parallel_loop3A_223 = vector.broadcast %parallel_loop3A_222 : f32 to vector<16xf32>
        %parallel_loop3A_224 = arith.mulf %parallel_loop3A_221, %parallel_loop3A_223 : vector<16xf32>
        %parallel_loop3A_225 = arith.constant 1 : i32
        %parallel_loop3A_226 = arith.index_cast %parallel_loop3A_225 : i32 to index
        %parallel_loop3A_227 = arith.index_cast %parallel_loop3A_216 : i32 to index
        %parallel_loop3A_228 = tpu.vector_load %arg6[%parallel_loop3A_226, %parallel_loop3A_227] {strides = array<i32>} : memref<2x16384xf32, #tpu.memory_space<vmem>>, vector<1x16xf32>,
        %parallel_loop3A_229 = vector.shape_cast %parallel_loop3A_228 : vector<1x16xf32> to vector<16xf32>
        %parallel_loop3A_230 = arith.addf %parallel_loop3A_224, %parallel_loop3A_229 : vector<16xf32>
        %parallel_loop3A_231 = arith.constant 1 : i32
        %parallel_loop3A_232 = arith.index_cast %parallel_loop3A_231 : i32 to index
        %parallel_loop3A_233 = arith.index_cast %parallel_loop3A_216 : i32 to index
        %parallel_loop3A_234 = tpu.vector_load %arg7[%parallel_loop3A_232, %parallel_loop3A_233] {strides = array<i32>} : memref<2x16384xf32, #tpu.memory_space<vmem>>, vector<1x16xf32>,
        %parallel_loop3A_235 = vector.shape_cast %parallel_loop3A_234 : vector<1x16xf32> to vector<16xf32>
        %parallel_loop3A_236 = vector.shape_cast %parallel_loop3A_230 : vector<16xf32> to vector<1x16xf32>
        tpu.vector_store %arg7[%parallel_loop3A_232, %parallel_loop3A_233], %parallel_loop3A_236 {strides = array<i32>} : memref<2x16384xf32, #tpu.memory_space<vmem>>, vector<1x16xf32>,
      } {sc.loop_unroll_factor = 8 : i64, sc.parallel_access}
      %mul3A_194 = arith.constant 16 : i32
      %mul3A_195 = arith.muli %add3A_155, %mul3A_194 : i32
      %add3A_196 = arith.addi %mul3A_2, %mul3A_195 : i32
      %mul3A_197 = arith.constant 1024 : i32
      %mul3A_198 = arith.muli %add3A_196, %mul3A_197 : i32
      %dma_start3A_199 = arith.constant 1 : i32
      %dma_start3A_200 = arith.constant 0 : i32
      %dma_start3A_201 = tpu.memref_slice %arg7[%dma_start3A_199, %dma_start3A_200] : memref<2x16384xf32, #tpu.memory_space<vmem>> -> memref<1x16384xf32, #tpu.memory_space<vmem>>
      %dma_start3A_202 = tpu.memref_squeeze %dma_start3A_201 : memref<1x16384xf32, #tpu.memory_space<vmem>> -> memref<16384xf32, #tpu.memory_space<vmem>>
      %dma_start3A_203 = tpu.memref_slice %arg4[%mul3A_198] : memref<8388608xf32, #tpu.memory_space<hbm>> -> memref<16384xf32, #tpu.memory_space<hbm>>
      %dma_start3A_204 = tpu.memref_slice %arg4[%mul3A_198] : memref<8388608xf32, #tpu.memory_space<hbm>> -> memref<16384xf32, #tpu.memory_space<hbm>>
      %dma_start3A_205 = arith.constant 0 : i32
      %dma_start3A_206 = tpu.memref_slice %arg7[%dma_start3A_199, %dma_start3A_205] : memref<2x16384xf32, #tpu.memory_space<vmem>> -> memref<1x16384xf32, #tpu.memory_space<vmem>>
      %dma_start3A_207 = tpu.memref_squeeze %dma_start3A_206 : memref<1x16384xf32, #tpu.memory_space<vmem>> -> memref<16384xf32, #tpu.memory_space<vmem>>
      tpu.enqueue_dma source(%dma_start3A_207 : memref<16384xf32, #tpu.memory_space<vmem>>) target(%dma_start3A_204 : memref<16384xf32, #tpu.memory_space<hbm>>) target_semaphore(%arg13 : memref<!tpu.dma_semaphore, #tpu.memory_space<semaphore_mem>>)
      %add3A_208 = arith.constant 2 : i32
      %add3A_209 = arith.addi %add3A_155, %add3A_208 : i32
      %lt3A_210 = arith.constant 16 : i32
      %lt3A_211 = arith.cmpi slt, %add3A_209, %lt3A_210 : i32
      %convert_element_type3A_212 = arith.extui %lt3A_211 : i1 to i32
      %cond3A_213 = arith.constant 0 : i32
      %cond3A_214 = arith.cmpi ne, %convert_element_type3A_212, %cond3A_213 : i32
      scf.if %cond3A_214 {
        %add3A_216 = arith.constant 2 : i32
        %add3A_217 = arith.addi %add3A_155, %add3A_216 : i32
        %mul3A_218 = arith.constant 16 : i32
        %mul3A_219 = arith.muli %add3A_217, %mul3A_218 : i32
        %add3A_220 = arith.addi %mul3A_2, %mul3A_219 : i32
        %mul3A_221 = arith.constant 1024 : i32
        %mul3A_222 = arith.muli %add3A_220, %mul3A_221 : i32
        %add3A_223 = arith.constant 25165824 : i32
        %add3A_224 = arith.addi %add3A_223, %mul3A_222 : i32
        %mul3A_225 = arith.constant 16 : i32
        %mul3A_226 = arith.muli %add3A_217, %mul3A_225 : i32
        %add3A_227 = arith.addi %rem3A_5, %mul3A_226 : i32
        %mul3A_228 = arith.constant 1024 : i32
        %mul3A_229 = arith.muli %add3A_227, %mul3A_228 : i32
        %dma_start3A_230 = arith.constant 1 : i32
        %dma_start3A_231 = arith.constant 0 : i32
        %dma_start3A_232 = tpu.memref_slice %arg5[%dma_start3A_230, %dma_start3A_231] : memref<2x16384xf32, #tpu.memory_space<vmem>> -> memref<1x16384xf32, #tpu.memory_space<vmem>>
        %dma_start3A_233 = tpu.memref_squeeze %dma_start3A_232 : memref<1x16384xf32, #tpu.memory_space<vmem>> -> memref<16384xf32, #tpu.memory_space<vmem>>
        %dma_start3A_234 = tpu.memref_slice %arg2[%add3A_224] : memref<33554432xf32, #tpu.memory_space<hbm>> -> memref<16384xf32, #tpu.memory_space<hbm>>
        %dma_start3A_235 = arith.constant 0 : i32
        %dma_start3A_236 = tpu.memref_slice %arg5[%dma_start3A_230, %dma_start3A_235] : memref<2x16384xf32, #tpu.memory_space<vmem>> -> memref<1x16384xf32, #tpu.memory_space<vmem>>
        %dma_start3A_237 = tpu.memref_squeeze %dma_start3A_236 : memref<1x16384xf32, #tpu.memory_space<vmem>> -> memref<16384xf32, #tpu.memory_space<vmem>>
        %dma_start3A_238 = tpu.memref_slice %arg2[%add3A_224] : memref<33554432xf32, #tpu.memory_space<hbm>> -> memref<16384xf32, #tpu.memory_space<hbm>>
        tpu.enqueue_dma source(%dma_start3A_238 : memref<16384xf32, #tpu.memory_space<hbm>>) target(%dma_start3A_237 : memref<16384xf32, #tpu.memory_space<vmem>>) target_semaphore(%arg9 : memref<!tpu.dma_semaphore, #tpu.memory_space<semaphore_mem>>)
        %dma_start3A_239 = arith.constant 1 : i32
        %dma_start3A_240 = arith.constant 0 : i32
        %dma_start3A_241 = tpu.memref_slice %arg6[%dma_start3A_239, %dma_start3A_240] : memref<2x16384xf32, #tpu.memory_space<vmem>> -> memref<1x16384xf32, #tpu.memory_space<vmem>>
        %dma_start3A_242 = tpu.memref_squeeze %dma_start3A_241 : memref<1x16384xf32, #tpu.memory_space<vmem>> -> memref<16384xf32, #tpu.memory_space<vmem>>
        %dma_start3A_243 = tpu.memref_slice %arg3[%mul3A_229] : memref<8388608xf32, #tpu.memory_space<hbm>> -> memref<16384xf32, #tpu.memory_space<hbm>>
        %dma_start3A_244 = arith.constant 0 : i32
        %dma_start3A_245 = tpu.memref_slice %arg6[%dma_start3A_239, %dma_start3A_244] : memref<2x16384xf32, #tpu.memory_space<vmem>> -> memref<1x16384xf32, #tpu.memory_space<vmem>>
        %dma_start3A_246 = tpu.memref_squeeze %dma_start3A_245 : memref<1x16384xf32, #tpu.memory_space<vmem>> -> memref<16384xf32, #tpu.memory_space<vmem>>
        %dma_start3A_247 = tpu.memref_slice %arg3[%mul3A_229] : memref<8388608xf32, #tpu.memory_space<hbm>> -> memref<16384xf32, #tpu.memory_space<hbm>>
        tpu.enqueue_dma source(%dma_start3A_247 : memref<16384xf32, #tpu.memory_space<hbm>>) target(%dma_start3A_246 : memref<16384xf32, #tpu.memory_space<vmem>>) target_semaphore(%arg11 : memref<!tpu.dma_semaphore, #tpu.memory_space<semaphore_mem>>)
      } else {
      }
      %scan3A_215 = arith.constant 0 : i32
      scf.yield %scan3A_215 : i32
    }
    %scan3A_66 = arith.constant 8 : i32
    %add3A_67 = arith.constant 224 : i32
    %add3A_68 = arith.addi %mul3A_2, %add3A_67 : i32
    %mul3A_69 = arith.constant 1024 : i32
    %mul3A_70 = arith.muli %add3A_68, %mul3A_69 : i32
    %dma_wait3A = arith.constant 0 : i32
    %dma_wait3A_71 = arith.constant 0 : i32
    %dma_wait3A_72 = tpu.memref_slice %arg7[%dma_wait3A, %dma_wait3A_71] : memref<2x16384xf32, #tpu.memory_space<vmem>> -> memref<1x16384xf32, #tpu.memory_space<vmem>>
    %dma_wait3A_73 = tpu.memref_squeeze %dma_wait3A_72 : memref<1x16384xf32, #tpu.memory_space<vmem>> -> memref<16384xf32, #tpu.memory_space<vmem>>
    %dma_wait3A_74 = tpu.memref_slice %arg4[%mul3A_70] : memref<8388608xf32, #tpu.memory_space<hbm>> -> memref<16384xf32, #tpu.memory_space<hbm>>
    %dma_wait3A_75 = tpu.memref_slice %arg4[%mul3A_70] : memref<8388608xf32, #tpu.memory_space<hbm>> -> memref<16384xf32, #tpu.memory_space<hbm>>
    %dma_wait3A_76 = arith.constant 0 : i32
    %dma_wait3A_77 = tpu.memref_slice %arg7[%dma_wait3A, %dma_wait3A_76] : memref<2x16384xf32, #tpu.memory_space<vmem>> -> memref<1x16384xf32, #tpu.memory_space<vmem>>
    %dma_wait3A_78 = tpu.memref_squeeze %dma_wait3A_77 : memref<1x16384xf32, #tpu.memory_space<vmem>> -> memref<16384xf32, #tpu.memory_space<vmem>>
    tpu.wait_dma2 semaphore(%arg12 : memref<!tpu.dma_semaphore, #tpu.memory_space<semaphore_mem>>) src(%dma_wait3A_78 : memref<16384xf32, #tpu.memory_space<vmem>>) dst(%dma_wait3A_75 : memref<16384xf32, #tpu.memory_space<hbm>>)
    %add3A_79 = arith.constant 240 : i32
    %add3A_80 = arith.addi %mul3A_2, %add3A_79 : i32
    %mul3A_81 = arith.constant 1024 : i32
    %mul3A_82 = arith.muli %add3A_80, %mul3A_81 : i32
    %dma_wait3A_83 = arith.constant 1 : i32
    %dma_wait3A_84 = arith.constant 0 : i32
    %dma_wait3A_85 = tpu.memref_slice %arg7[%dma_wait3A_83, %dma_wait3A_84] : memref<2x16384xf32, #tpu.memory_space<vmem>> -> memref<1x16384xf32, #tpu.memory_space<vmem>>
    %dma_wait3A_86 = tpu.memref_squeeze %dma_wait3A_85 : memref<1x16384xf32, #tpu.memory_space<vmem>> -> memref<16384xf32, #tpu.memory_space<vmem>>
    %dma_wait3A_87 = tpu.memref_slice %arg4[%mul3A_82] : memref<8388608xf32, #tpu.memory_space<hbm>> -> memref<16384xf32, #tpu.memory_space<hbm>>
    %dma_wait3A_88 = tpu.memref_slice %arg4[%mul3A_82] : memref<8388608xf32, #tpu.memory_space<hbm>> -> memref<16384xf32, #tpu.memory_space<hbm>>
    %dma_wait3A_89 = arith.constant 0 : i32
    %dma_wait3A_90 = tpu.memref_slice %arg7[%dma_wait3A_83, %dma_wait3A_89] : memref<2x16384xf32, #tpu.memory_space<vmem>> -> memref<1x16384xf32, #tpu.memory_space<vmem>>
    %dma_wait3A_91 = tpu.memref_squeeze %dma_wait3A_90 : memref<1x16384xf32, #tpu.memory_space<vmem>> -> memref<16384xf32, #tpu.memory_space<vmem>>
    tpu.wait_dma2 semaphore(%arg13 : memref<!tpu.dma_semaphore, #tpu.memory_space<semaphore_mem>>) src(%dma_wait3A_91 : memref<16384xf32, #tpu.memory_space<vmem>>) dst(%dma_wait3A_88 : memref<16384xf32, #tpu.memory_space<hbm>>)
    return
  }
}

module attributes {stable_mosaic.version = 14 : i64} {
  func.func @_tc_kernel(%arg0: i32, %arg1: i32, %arg2: memref<1x2048x1024xf32, #tpu.memory_space<vmem>>, %arg3: memref<2048x1024xf32, #tpu.memory_space<vmem>>, %arg4: memref<1x2048x1024xf32, #tpu.memory_space<vmem>>) attributes {dimension_semantics = [#tpu.dimension_semantics<parallel>, #tpu.dimension_semantics<parallel>], iteration_bounds = array<i64: 4, 3>, scalar_prefetch = 0 : i64, scratch_operands = 0 : i64, tpu.core_type = #tpu.core_type<tc>, window_params = [{transform_indices = @transform_0, window_bounds = array<i64: 1, 2048, 1024>}, {transform_indices = @transform_1, window_bounds = array<i64: 2048, 1024>}, {transform_indices = @transform_2, window_bounds = array<i64: 1, 2048, 1024>}]} {
    %get3A = arith.constant 0 : index
    %get3A_0 = arith.constant 0 : index
    %get3A_1 = arith.constant 0 : index
    %get3A_2 = vector.load %arg2[%get3A, %get3A_0, %get3A_1] : memref<1x2048x1024xf32, #tpu.memory_space<vmem>>, vector<1x2048x1024xf32>
    %mul3A = arith.constant 3.200000e+01 : f32
    %mul3A_3 = vector.broadcast %mul3A : f32 to vector<1x2048x1024xf32>
    %mul3A_4 = arith.mulf %get3A_2, %mul3A_3 : vector<1x2048x1024xf32>
    %get3A_5 = arith.constant 0 : index
    %get3A_6 = arith.constant 0 : index
    %get3A_7 = vector.load %arg3[%get3A_5, %get3A_6] : memref<2048x1024xf32, #tpu.memory_space<vmem>>, vector<2048x1024xf32>
    %broadcast_in_dim3A = vector.shape_cast %get3A_7 : vector<2048x1024xf32> to vector<1x2048x1024xf32>
    %add3A = arith.addf %mul3A_4, %broadcast_in_dim3A : vector<1x2048x1024xf32>
    %swap3A = arith.constant 0 : index
    %swap3A_8 = arith.constant 0 : index
    %swap3A_9 = arith.constant 0 : index
    %swap3A_10 = vector.load %arg4[%swap3A, %swap3A_8, %swap3A_9] : memref<1x2048x1024xf32, #tpu.memory_space<vmem>>, vector<1x2048x1024xf32>
    tpu.vector_store %arg4[%swap3A, %swap3A_8, %swap3A_9], %add3A {strides = array<i32>} : memref<1x2048x1024xf32, #tpu.memory_space<vmem>>, vector<1x2048x1024xf32>,
    return
  }
  func.func @transform_0(%arg0: i32, %arg1: i32) -> (i32, i32, i32) {
    %c0_i32 = arith.constant 0 : i32
    %c0_i32_0 = arith.constant 0 : i32
    return %arg1, %arg0, %c0_i32 : i32, i32, i32
  }
  func.func @transform_1(%arg0: i32, %arg1: i32) -> (i32, i32) {
    %c0_i32 = arith.constant 0 : i32
    %c0_i32_0 = arith.constant 0 : i32
    return %arg0, %c0_i32 : i32, i32
  }
  func.func @transform_2(%arg0: i32, %arg1: i32) -> (i32, i32, i32) {
    %c0_i32 = arith.constant 0 : i32
    %c0_i32_0 = arith.constant 0 : i32
    return %arg1, %arg0, %c0_i32 : i32, i32, i32
  }
}

</mosaic_0001>

<sc_bundles>
// kernel: kernel.4.cloned.1.call-start
scs
__scs_entry_jumppad:
0x0: {  	(pc) =	sbr.rel $0x88, $3  }
0x1: {  	(tag) =	ssettag $0x0;
	lr =	simm.s32 $0x1  }
0x2: {  	[smem:$0x3F9F] =	sst lr;
	_ =	strace $0xD0000000  }
0x3: {  	_ = 	snop  }
0x4: {  	_ = 	snop  }
0x5: {  	_ = 	snop  }
0x6: {  	_ = 	snop  }
0x7: {  	_ = 	snop  }
__scs_overlays_trampoline_lowered:
0x8: {  	[smem:$0x3FAE] =	sst s0  }
0x9: {  	[smem:$0x3FAF] =	sst s1  }
0xa: {  	[smem:$0x3FB0] =	sst s2  }
0xb: {  	[smem:$0x3FB1] =	sst s3  }
0xc: {  	[smem:$0x3FB2] =	sst s4  }
0xd: {  	[smem:$0x3FB3] =	sst s5  }
0xe: {  	[smem:$0x3FB4] =	sst s6  }
0xf: {  	[smem:$0x3FB5] =	sst s7  }
0x10: {  	[smem:$0x3FB6] =	sst s8  }
0x11: {  	[smem:$0x3FB7] =	sst s9;
	s0 =	simm.s32 @!p0 $0x0  }
0x12: {  	s1 =	sld [smem:$0x3F9D];
	s0 =	simm.s32 @p0 $0x1  }
0x13: {  	[smem:$0x3FB8] =	sst s0;
	s0 =	simm.s32 @!p1 $0x0  }
0x14: {  	s2 =	sld [smem:$0x3F9C];
	s0 =	simm.s32 @p1 $0x1  }
0x15: {  	[smem:$0x3FB9] =	sst s0;
	s0 =	simm.s32 @!p2 $0x0  }
0x16: {  	s3 =	sld [smem:$0x3FDB];
	s0 =	simm.s32 @p2 $0x1  }
0x17: {  	s4 =	simm.s32 $0x1BF5;
	[smem:$0x3FBB] =	sst s0  }
0x18: {  	s0 =	sld [smem:$0x3F9E];
	_ =	swait.ge [sflag:s4], $0x0  }
0x19: {  	s7 =	sld [smem:$0x3F9F]  }
0x1a: {  	s8 =	sadd.s32 $0xFFFFE003, lr  }
0x1b: {  	s9 =	sadd.s32 $0xFFFFFEF7, lr;
	s5 =	simm.s32 $0xFFFFFFFF;
	p2 =	slt.u32 s8, $0xFFFFF086  }
0x1c: {  	p1 =	slt.u32 s9, $0xF7A;
	s5 =	simm.s32 @!p2 $0x0  }
0x1d: {  	s5 =	simm.s32 @p1 $0x1;
	p0 =	seq.s32 s7, s2  }
0x1e: {  	s7 =	smul.u32 @!p0 $0xF7A, s2;
	p2 =	seq.s32 @!p0 s5, $0x0  }
0x1f: {  	s9 =	smul.u32 $0xF7A, s1;
	s8 =	simm.s32 @!p0 $0x1BF5;
	p2 =	por !p2, p0  }
0x20: {  	[sflag:s8] =	ssyncset.s32 @!p0 $0xFFFFF086;
	s6 =	sadd.s32 @!p0 s3, s7;
	s7 =	simm.s32 @!p0 $0x108  }
0x21: {  	s3 =	sadd.s32 s3, s9;
	s6 =	sadd.s32 @!p0 $0x88, s6;
	s7 =	simm.s32 @p2 $0x1082  }
0x22: {  	[simem:s7], [sflag:s8] =	dma.local @!p0 [hbm:s6], $0xF7A  }
0x23: {  	s9 =	sor.u32 $0xD0000000, s2;
	s6 =	simm.s32 $0x108;
	_ =	swait.ge @!p0 [sflag:s8], $0x0  }
0x24: {  	s3 =	sadd.s32 $0x88, s3;
	s6 =	simm.s32 @!p1 $0x1082;
	[sflag:s4] =	ssyncset.s32 $0xFFFFF086  }
0x25: {  	[simem:s6], [sflag:s4] =	dma.local [hbm:s3], $0xF7A  }
0x26: {  	[smem:$0x3F9F] =	sst s1;
	(tag) =	ssettag s2;
	_ =	strace s9  }
0x27: {  	s1 =	sld [smem:$0x3FAF]  }
0x28: {  	s2 =	sld [smem:$0x3FB0]  }
0x29: {  	s4 =	sld [smem:$0x3FB2]  }
0x2a: {  	p0 =	seq.s32 s5, $0x0;
	s5 =	sld [smem:$0x3FB3]  }
0x2b: {  	s6 =	sld [smem:$0x3FB4]  }
0x2c: {  	s7 =	sld [smem:$0x3FB5]  }
0x2d: {  	s3 =	simm.s32 $0x108;
	s8 =	sld [smem:$0x3FB6]  }
0x2e: {  	s3 =	simm.s32 @!p0 $0x1082;
	s9 =	sld [smem:$0x3FB7]  }
0x2f: {  	lr =	sadd.s32 s0, s3;
	s0 =	sld [smem:$0x3FAE]  }
0x30: {  	s3 =	sld [smem:$0x3FB1]  }
0x31: {  	[smem:$0x3FBA] =	sst s10  }
0x32: {  	s10 =	sld [smem:$0x3FB8];
	_ =	sdelay $0x3  }
0x33: {  	p0 =	seq.s32 s10, $0x1;
	s10 =	sld [smem:$0x3FBA];
	_ =	sdelay $0x3  }
0x34: {  	[smem:$0x3FBA] =	sst s10  }
0x35: {  	s10 =	sld [smem:$0x3FB9];
	_ =	sdelay $0x3  }
0x36: {  	p1 =	seq.s32 s10, $0x1;
	s10 =	sld [smem:$0x3FBA];
	_ =	sdelay $0x3  }
0x37: {  	[smem:$0x3FBA] =	sst s10  }
0x38: {  	s10 =	sld [smem:$0x3FBB]  }
0x39: {  	_ = 	snop;
	(pc) =	sbr.ind lr, $3  }
0x3a: {  	_ = 	snop  }
0x3b: {  	_ = 	snop  }
0x3c: {  	p2 =	seq.s32 s10, $0x1;
	s10 =	sld [smem:$0x3FBA]  }
0x3d: {  	_ =	shalt  }
0x3e: {  	_ =	shalt  }
0x3f: {  	_ =	shalt  }
0x40: {  	_ =	shalt  }
0x41: {  	_ =	shalt  }
0x42: {  	_ =	shalt  }
0x43: {  	_ =	shalt  }
0x44: {  	_ =	shalt  }
0x45: {  	_ =	shalt  }
0x46: {  	_ =	shalt  }
0x47: {  	_ =	shalt  }
0x48: {  	_ =	shalt  }
0x49: {  	_ =	shalt  }
0x4a: {  	_ =	shalt  }
0x4b: {  	_ =	shalt  }
0x4c: {  	_ =	shalt  }
0x4d: {  	_ =	shalt  }
0x4e: {  	_ =	shalt  }
0x4f: {  	_ =	shalt  }
0x50: {  	_ =	shalt  }
0x51: {  	_ =	shalt  }
0x52: {  	_ =	shalt  }
0x53: {  	_ =	shalt  }
0x54: {  	_ =	shalt  }
0x55: {  	_ =	shalt  }
0x56: {  	_ =	shalt  }
0x57: {  	_ =	shalt  }
0x58: {  	_ =	shalt  }
0x59: {  	_ =	shalt  }
0x5a: {  	_ =	shalt  }
0x5b: {  	_ =	shalt  }
0x5c: {  	_ =	shalt  }
0x5d: {  	_ =	shalt  }
0x5e: {  	_ =	shalt  }
0x5f: {  	_ =	shalt  }
0x60: {  	_ =	shalt  }
0x61: {  	_ =	shalt  }
0x62: {  	_ =	shalt  }
0x63: {  	_ =	shalt  }
0x64: {  	_ =	shalt  }
0x65: {  	_ =	shalt  }
0x66: {  	_ =	shalt  }
0x67: {  	_ =	shalt  }
0x68: {  	_ =	shalt  }
0x69: {  	_ =	shalt  }
0x6a: {  	_ =	shalt  }
0x6b: {  	_ =	shalt  }
0x6c: {  	_ =	shalt  }
0x6d: {  	_ =	shalt  }
0x6e: {  	_ =	shalt  }
0x6f: {  	_ =	shalt  }
0x70: {  	_ =	shalt  }
0x71: {  	_ =	shalt  }
0x72: {  	_ =	shalt  }
0x73: {  	_ =	shalt  }
0x74: {  	_ =	shalt  }
0x75: {  	_ =	shalt  }
0x76: {  	_ =	shalt  }
0x77: {  	_ =	shalt  }
0x78: {  	_ =	shalt  }
0x79: {  	_ =	shalt  }
0x7a: {  	_ =	shalt  }
0x7b: {  	_ =	shalt  }
0x7c: {  	_ =	shalt  }
0x7d: {  	_ =	shalt  }
0x7e: {  	_ =	shalt  }
0x7f: {  	_ =	shalt  }
0x80: {  	_ =	shalt  }
0x81: {  	_ =	shalt  }
0x82: {  	_ =	shalt  }
0x83: {  	_ =	shalt  }
0x84: {  	_ =	shalt  }
0x85: {  	_ =	shalt  }
0x86: {  	_ =	shalt  }
0x87: {  	_ =	shalt  }
.Lfunc_end0:
.L_simem_size_0:
called_computation.2_lowered:
.L_overlay_start_0:
0x88: {  	s2 =	sld [smem:$0x3FD9]  }
0x89: {  	s3 =	sld [smem:$0x3FFE];
	_ =	sdelay $0x1  }
0x8a: {  	s1 =	srdreg.scid  }
0x8b: {  	s0 =	sand.u32 $0x1, s1  }
0x8c: {  	s17 =	sshll.u32 s0, $0xA;
	s2 =	sadd.s32 s3, s2  }
0x8d: {  	s2 =	sadd.s32 s2, s17  }
0x8e: {  	[smem:$0x3FC6] =	sst s2  }
0x8f: {  	_ = 	snop  }
0x90: {  	s2 =	sld [smem:$0x3FD0];
	(tm) =	ssettm $0x1  }
0x91: {  	s18 =	sld [smem:$0x3FFB];
	_ =	sdelay $0x3  }
0x92: {  	_ =	strace s18  }
0x93: {  	s3 =	sld [smem:$0x3FFC];
	_ =	sdelay $0x3  }
0x94: {  	_ =	strace s3  }
0x95: {  	s3 =	sld [smem:$0x3FFD];
	_ =	sdelay $0x3  }
0x96: {  	_ =	strace s3  }
0x97: {  	_ =	strace $0x8FFFFFFF  }
0x98: {  	s19 =	sld [smem:$0x3FDB];
	_ =	sdelay $0x1  }
0x99: {  	s4 =	simm.s32 $_scs_section_size  }
0x9a: {  	s5 =	simm.s32 $_size__tile_overlayer_lowered;
	s6 =	simm.s32 $_tile_overlayer_lowered  }
0x9b: {  	s22 =	simm.s32 $0x1BFF;
	s21 =	sshll.u32 s6, $0x1;
	s3 =	sadd.s32 s4, s19  }
0x9c: {  	s7 =	simm.s32 $0x0;
	s20 =	sshll.u32 s5, $0x1;
	s5 =	sadd.s32 s21, s3  }
0x9d: {  	[timem:s7], [sflag:s22] =	dma.local [hbm:s5], s20  }
0x9e: {  	_ =	swait.ge [sflag:s22], s20  }
0x9f: {  	s4 =	ssub.s32 $0x0, s20;
	[sflag:s22] =	ssyncset.done $0x0  }
0xa0: {  	[sflag:s22] =	ssyncadd.s32 s4;
	_ =	sdelay $0x1  }
0xa1: {  	s23 =	simm.s32 $0x1B8B  }
0xa2: {  	_ =	swait.ge [sflag:s23], $0x1  }
0xa3: {  	[sflag:s23] =	ssyncset.done $0x0  }
0xa4: {  	s25 =	simm.s32 $0x1B8E;
	s24 =	sld [smem:$0x3FFE];
	[sflag:s23] =	ssyncadd.s32 $0xFFFFFFFF  }
0xa5: {  	s26 =	simm.s32 $execute0_lowered;
	[smem:$0x3FD2] =	sst s25  }
0xa6: {  	s5 =	sshll.u32 s26, $0x1;
	_ =	strace $0x8000004C;
	[dreg:$0x1] =	wrdreg $0xFFFFFFFF  }
0xa7: {  	s28 =	simm.s32 $_size_execute0_lowered;
	s3 =	sadd.s32 s3, s5;
	[dreg:$0x0] =	wrdreg $0x0  }
0xa8: {  	s5 =	sshll.u32 s28, $0x1;
	[dreg:$0x2] =	wrdreg s3  }
0xa9: {  	[dreg:$0x3] =	wrdreg s5  }
0xaa: {  	[dreg:$0x4] =	wrdreg $0xC0  }
0xab: {  	_ =	task [dreg:s7], $0x5FFFF  }
0xac: {  	[dreg:$0x1] =	wrdreg $0xFFFFFFFF  }
0xad: {  	[dreg:$0x0] =	wrdreg $0x60  }
0xae: {  	[dreg:$0x2] =	wrdreg s2  }
0xaf: {  	[dreg:$0x3] =	wrdreg s24  }
0xb0: {  	[dreg:$0x4] =	wrdreg $0x9  }
0xb1: {  	_ =	task.clear_ibuf [dreg:s7], $0x5FFFF;
	_ =	strace $0x9000004C  }
0xb2: {  	s29 =	simm.s32 $0x9;
	_ =	strace $0x8000004E  }
0xb3: {  	_ =	swait.ge [sflag:s29], $0x1  }
0xb4: {  	[sflag:s29] =	ssyncadd.s32 $0xFFFFFFFF  }
0xb5: {  	_ =	strace $0x9000004E  }
0xb6: {  	_ =	sfence  }
0xb7: {  	s30 =	sld [smem:$0x0];
	_ =	sdelay $0x2  }
0xb8: {  	s31 =	sshll.u32 s1, $0xD;
	s1 =	sshrl.u32 s1, $0x2  }
0xb9: {  	s3 =	sand.u32 $0x4000, s31;
	s1 =	sadd.s32 s1, s30  }
0xba: {  	s0 =	sor.u32 s3, s0;
	s1 =	sshll.u32 s1, $0x11  }
0xbb: {  	s0 =	sor.u32 s1, s0  }
0xbc: {  	s0 =	sadd.s32 $0x8F2B, s0  }
0xbd: {  	[sflag:s0] =	ssyncadd.remote.s32 $0x1  }
0xbe: {  	_ =	sfence.sel $0xFFFF  }
0xbf: {  	[dreg:$0x0] =	wrdreg $0xFFFFFFFF;
	(pc) =	sbr.abs _section_cstart, $3  }
0xc0: {  	[dreg:$0x1] =	wrdreg $0xFFFFFFFF  }
0xc1: {  	_ =	task.clear_ibuf [dreg:s7], $0x2FFFF;
	_ =	strace $0x9FFFFFFF  }
0xc2: {  	(tm) =	ssettm $0x7FFFFFFF  }
0xc3: {  	_ =	shalt  }
tec
execute0_lowered:
.L_overlay_start_1:
0x0: {  	(tag) =	ssettag $0x1  }
0x1: {  	s7 =	rddreg [dreg:$0x0]  }
0x2: {  	s11 =	rddreg [dreg:$0x1]  }
0x3: {  	s0 =	rddreg [dreg:$0x2]  }
0x4: {  	s2 =	simm.s32 $0x0;
	s3 =	srdreg.scid;
	s1 =	stileid.u32  }
0x5: {  	s15 =	simm.s32 $0x1;
	s16 =	simm.s32 $0x3;
	s17 =	simm.s32 $0x2  }
0x6: {  	s18 =	simm.s32 $0x4;
	s19 =	simm.s32 $0x5;
	s20 =	simm.s32 $0x6  }
0x7: {  	s21 =	simm.s32 $0x0;
	[smem:$0x7FF] =	sst s2;
	s4 =	sand.u32 $0x1, s3  }
0x8: {  	s6 =	sshll.u32 s1, $0x1;
	s3 =	sadd.s32 $0xC00, s11;
	_ =	strace $0x8000004D  }
0x9: {  	s5 =	ssub.s32 $0x2, s4;
	s6 =	sor.u32 s4, s6;
	s4 =	sadd.s32 $0x100C00, s11  }
.Ltmp0:
0xa: {  	s11 =	sadd.s32 $0x101400, s11;
	s8 =	sshrl.u32 s5, $0x1;
	(pc) =	sbr.rel .LBB2_1-.Ltmp0, $4  }
0xb: {  	s14 =	sshll.u32 s6, $0x8;
	s12 =	ssub.s32 s5, s8;
	s5 =	sshll.u32 s6, $0xF  }
0xc: {  	s6 =	sadd.s32 $0x300000, s7;
	s13 =	sor.u32 $0x20, s14;
	s14 =	sor.u32 $0x30, s14  }
0xd: {  	s9 =	sadd.s32 s5, s7;
	s7 =	sadd.s32 s5, s6;
	s8 =	sadd.s32 s3, s5  }
0xe: {  	s12 =	smax.u32 s12, $0x1;
	s9 =	sadd.s32 $0x300800, s9;
	s10 =	sadd.s32 $0x800, s8  }
.LBB2_30:
0xf: {  	s21 =	sadd.s32 $0x1, s21  }
0x10: {  	_ =	swait.ge [sflag:s19], $0x4000;
	p0 =	sne.s32 s21, s12  }
.Ltmp1:
0x11: {  	[sflag:s19] =	ssyncset.done $0x0;
	(pc) =	sbr.rel @!p0 .LBB2_31-.Ltmp1, $4  }
0x12: {  	[sflag:s19] =	ssyncadd.s32 $0xFFFFC000  }
0x13: {  	_ =	swait.ge [sflag:s20], $0x4000  }
0x14: {  	[sflag:s20] =	ssyncset.done $0x0  }
0x15: {  	[sflag:s20] =	ssyncadd.s32 $0xFFFFC000  }
.LBB2_1:
0x16: {  	s22 =	simm.s32 $0x10  }
0x17: {  	s25 =	sadd.s32 $0x0, s7;
	s23 =	simm.s32 $0x100;
	s24 =	simm.s32 $0x0  }
.LBB2_2:
0x18: {  	[tilespmem:s24], [sflag:$0x1] =	stream.linear.gather [hbm4b:s25+s2], $0x80, $0x38;
	[tilespmem:$0x18000] =	vst v63  }
0x19: {  	s25 =	smov.u32 s22;
	s24 =	smov.u32 s23;
	p0 =	sne.s32 s22, $0x7F0  }
.Ltmp2:
0x1a: {  	s22 =	sadd.s32 $0x10, s22;
	(pc) =	sbr.rel @p0 .LBB2_2-.Ltmp2, $2  }
0x1b: {  	_ =	sdelay $0x2  }
0x1c: {  	s23 =	sadd.s32 $0x100, s23;
	s25 =	sadd.s32 s25, s7  }
0x1d: {  	[tilespmem:s24], [sflag:$0x1] =	stream.linear.gather [hbm4b:s25+s2], $0x80, $0x38;
	[tilespmem:$0x18000] =	vst v63  }
0x1e: {  	s22 =	simm.s32 $0x8000  }
0x1f: {  	s23 =	simm.s32 $0x10;
	s25 =	sadd.s32 $0x0, s8;
	s24 =	simm.s32 $0x8100  }
.LBB2_4:
0x20: {  	[tilespmem:s22], [sflag:$0x3] =	stream.linear.gather [hbm4b:s25+s2], $0x80, $0x38;
	[tilespmem:$0x18000] =	vst v63  }
0x21: {  	s25 =	smov.u32 s23;
	s22 =	smov.u32 s24;
	p0 =	sne.s32 s23, $0x7F0  }
.Ltmp3:
0x22: {  	s23 =	sadd.s32 $0x10, s23;
	(pc) =	sbr.rel @p0 .LBB2_4-.Ltmp3, $2  }
0x23: {  	_ =	sdelay $0x2  }
0x24: {  	s24 =	sadd.s32 $0x100, s24;
	s25 =	sadd.s32 s25, s8  }
0x25: {  	[tilespmem:s22], [sflag:$0x3] =	stream.linear.gather [hbm4b:s25+s2], $0x80, $0x38;
	[tilespmem:$0x18000] =	vst v63  }
0x26: {  	s22 =	simm.s32 $0x80  }
0x27: {  	s23 =	simm.s32 $0x10;
	s25 =	sadd.s32 $0x0, s9;
	s24 =	simm.s32 $0x180  }
.LBB2_6:
0x28: {  	[tilespmem:s22], [sflag:$0x2] =	stream.linear.gather [hbm4b:s25+s2], $0x80, $0x38;
	[tilespmem:$0x18000] =	vst v63  }
0x29: {  	s25 =	smov.u32 s23;
	s22 =	smov.u32 s24;
	p0 =	sne.s32 s23, $0x7F0  }
.Ltmp4:
0x2a: {  	s23 =	sadd.s32 $0x10, s23;
	(pc) =	sbr.rel @p0 .LBB2_6-.Ltmp4, $2  }
0x2b: {  	_ =	sdelay $0x2  }
0x2c: {  	s24 =	sadd.s32 $0x100, s24;
	s25 =	sadd.s32 s25, s9  }
0x2d: {  	[tilespmem:s22], [sflag:$0x2] =	stream.linear.gather [hbm4b:s25+s2], $0x80, $0x38;
	[tilespmem:$0x18000] =	vst v63  }
0x2e: {  	s22 =	simm.s32 $0x0;
	s23 =	simm.s32 $0x8080  }
0x2f: {  	s24 =	simm.s32 $0x10;
	s26 =	sadd.s32 $0x0, s10;
	s25 =	simm.s32 $0x8180  }
.LBB2_8:
0x30: {  	[tilespmem:s23], [sflag:$0x4] =	stream.linear.gather [hbm4b:s26+s22], $0x80, $0x38;
	[tilespmem:$0x18000] =	vst v63  }
0x31: {  	s26 =	smov.u32 s24;
	s23 =	smov.u32 s25;
	p0 =	sne.s32 s24, $0x7F0  }
.Ltmp5:
0x32: {  	s24 =	sadd.s32 $0x10, s24;
	(pc) =	sbr.rel @p0 .LBB2_8-.Ltmp5, $2  }
0x33: {  	_ =	sdelay $0x2  }
0x34: {  	s25 =	sadd.s32 $0x100, s25;
	s26 =	sadd.s32 s26, s10  }
0x35: {  	[tilespmem:s23], [sflag:$0x4] =	stream.linear.gather [hbm4b:s26+s22], $0x80, $0x38;
	[tilespmem:$0x18000] =	vst v63  }
.LBB2_10:
0x36: {  	_ =	swait.ge [sflag:s15], $0x4000  }
0x37: {  	[sflag:s15] =	ssyncset.done $0x0  }
0x38: {  	[sflag:s15] =	ssyncadd.s32 $0xFFFFC000  }
0x39: {  	_ =	swait.ge [sflag:s16], $0x4000  }
0x3a: {  	p0 =	seq.s32 s22, $0x0;
	[sflag:s16] =	ssyncset.done $0x0  }
0x3b: {  	s23 =	simm.s32 @!p0 $0x5;
	[sflag:s16] =	ssyncadd.s32 $0xFFFFC000  }
0x3c: {  	_ =	swait.ge @!p0 [sflag:s23], $0x4000  }
0x3d: {  	[sflag:s23] =	ssyncset.done @!p0 $0x0  }
0x3e: {  	s31 =	simm.s32 $0x40;
	[sflag:s23] =	ssyncadd.s32 @!p0 $0xFFFFC000  }
0x3f: {  	v0 =	vld [tilespmem:s31+$0x30]  }
0x40: {  	s25 =	simm.s32 $0x8040;
	v1 =	vld [tilespmem:s31+$0xFFFFFFD0]  }
0x41: {  	v2 =	vld [tilespmem:s25+$0x30]  }
0x42: {  	v3 =	vld [tilespmem:s31+$0xFFFFFFE0]  }
0x43: {  	v4 =	vld [tilespmem:s31+$0xFFFFFFF0]  }
0x44: {  	v8 =	vld [tilespmem:s31+$0x0]  }
0x45: {  	v9 =	vld [tilespmem:s31+$0x10]  }
0x46: {  	v10 =	vld [tilespmem:s31+$0x20]  }
0x47: {  	v7 =	vld [tilespmem:s31+$0xFFFFFFC0]  }
0x48: {  	v11 =	vld [tilespmem:s25+$0xFFFFFFC0]  }
0x49: {  	v12 =	vld [tilespmem:s25+$0xFFFFFFD0]  }
0x4a: {  	v6 =	vld [tilespmem:s25+$0xFFFFFFE0];
	v13 =	vmul.f32 $3.200000000e+01, v0  }
0x4b: {  	v5 =	vld [tilespmem:s25+$0xFFFFFFF0];
	v14 =	vmul.f32 $3.200000000e+01, v1;
	v0 =	vmul.f32 $3.200000000e+01, v3  }
0x4c: {  	v1 =	vmul.f32 $3.200000000e+01, v4;
	v15 =	vmul.f32 $3.200000000e+01, v7;
	v7 =	vld [tilespmem:s25+$0x0];
	v13 =	vadd.f32 v2, v13  }
0x4d: {  	s24 =	sshll.u32 s22, $0xC;
	s26 =	simm.s32 $0x10040;
	s28 =	simm.s32 $0x0;
	v3 =	vmul.f32 $3.200000000e+01, v8;
	v8 =	vld [tilespmem:s25+$0x10];
	v4 =	vmul.f32 $3.200000000e+01, v10  }
0x4e: {  	s29 =	simm.s32 $0x140;
	s24 =	sadd.s32 s5, s24;
	s23 =	sshll.u32 s22, $0x5;
	v2 =	vmul.f32 $3.200000000e+01, v9;
	v11 =	vadd.f32 v11, v15;
	v10 =	vadd.f32 v12, v14;
	v9 =	vld [tilespmem:s25+$0x20];
	[tilespmem:s26+$0x30] =	vst v13  }
.LBB2_11:
0x4f: {  	v12 =	vld [tilespmem:s29+$0x30];
	s28 =	sadd.s32 $0x80, s28;
	v0 =	vadd.f32 v6, v0  }
0x50: {  	s25 =	sadd.s32 $0x100, s25;
	v6 =	vld [tilespmem:s29+$0xFFFFFFD0];
	p1 =	slt.u32 s28, $0x3F80;
	[tilespmem:s26+$0xFFFFFFC0] =	vst v11;
	v1 =	vadd.f32 v5, v1  }
0x51: {  	v5 =	vld [tilespmem:s25+$0x30];
	[tilespmem:s26+$0xFFFFFFD0] =	vst v10;
	v3 =	vadd.f32 v7, v3  }
0x52: {  	v7 =	vld [tilespmem:s29+$0xFFFFFFE0];
	[tilespmem:s26+$0xFFFFFFE0] =	vst v0;
	v0 =	vadd.f32 v8, v2  }
0x53: {  	v2 =	vld [tilespmem:s29+$0xFFFFFFF0];
	[tilespmem:s26+$0xFFFFFFF0] =	vst v1;
	v1 =	vadd.f32 v9, v4  }
0x54: {  	v4 =	vld [tilespmem:s29+$0x0];
	v8 =	vmul.f32 $3.200000000e+01, v12;
	[tilespmem:s26+$0x0] =	vst v3  }
0x55: {  	v9 =	vmul.f32 $3.200000000e+01, v6;
	v10 =	vld [tilespmem:s29+$0x10];
	[tilespmem:s26+$0x10] =	vst v0  }
0x56: {  	v11 =	vld [tilespmem:s29+$0x20];
	v3 =	vadd.f32 v5, v8;
	[tilespmem:s26+$0x20] =	vst v1  }
0x57: {  	s26 =	sadd.s32 $0x100, s26;
	v8 =	vld [tilespmem:s29+$0xFFFFFFC0];
	v0 =	vmul.f32 $3.200000000e+01, v7  }
0x58: {  	v12 =	vld [tilespmem:s25+$0xFFFFFFC0];
	v1 =	vmul.f32 $3.200000000e+01, v2;
	[tilespmem:s26+$0x30] =	vst v3  }
0x59: {  	v13 =	vld [tilespmem:s25+$0xFFFFFFD0];
	v3 =	vmul.f32 $3.200000000e+01, v4  }
.Ltmp6:
0x5a: {  	v6 =	vld [tilespmem:s25+$0xFFFFFFE0];
	v2 =	vmul.f32 $3.200000000e+01, v10;
	(pc) =	sbr.rel @p1 .LBB2_11-.Ltmp6, $4  }
0x5b: {  	v5 =	vld [tilespmem:s25+$0xFFFFFFF0];
	v4 =	vmul.f32 $3.200000000e+01, v11  }
0x5c: {  	v10 =	vmul.f32 $3.200000000e+01, v8;
	v7 =	vld [tilespmem:s25+$0x0]  }
0x5d: {  	v8 =	vld [tilespmem:s25+$0x10]  }
0x5e: {  	s29 =	sadd.s32 $0x100, s29;
	v11 =	vadd.f32 v12, v10;
	v10 =	vadd.f32 v13, v9;
	v9 =	vld [tilespmem:s25+$0x20]  }
0x5f: {  	_ = 	snop  }
0x60: {  	v0 =	vadd.f32 v6, v0;
	[tilespmem:s26+$0xFFFFFFC0] =	vst v11  }
0x61: {  	v1 =	vadd.f32 v5, v1;
	[tilespmem:s26+$0xFFFFFFD0] =	vst v10  }
0x62: {  	v3 =	vadd.f32 v7, v3;
	[tilespmem:s26+$0xFFFFFFE0] =	vst v0  }
0x63: {  	v62 =	vadd.f32 v8, v2;
	[tilespmem:s26+$0xFFFFFFF0] =	vst v1  }
0x64: {  	v63 =	vadd.f32 v9, v4;
	[tilespmem:s26+$0x0] =	vst v3  }
0x65: {  	s25 =	sadd.s32 s4, s24;
	s28 =	simm.s32 $0x10000;
	[tilespmem:s26+$0x10] =	vst v62  }
0x66: {  	s29 =	simm.s32 $0x10100;
	s30 =	sadd.s32 $0x0, s25;
	[tilespmem:s26+$0x20] =	vst v63;
	s26 =	simm.s32 $0x10  }
.LBB2_13:
0x67: {  	[hbm4b:s30+s2] =	stream.linear.scatter [tilespmem:s28], [sflag:$0x5], $0x80, $0x38;
	[tilespmem:$0x18000] =	vst v63  }
0x68: {  	s30 =	smov.u32 s26;
	s28 =	smov.u32 s29;
	p1 =	sne.s32 s26, $0x7F0  }
.Ltmp7:
0x69: {  	s26 =	sadd.s32 $0x10, s26;
	(pc) =	sbr.rel @p1 .LBB2_13-.Ltmp7, $2  }
0x6a: {  	_ =	sdelay $0x2  }
0x6b: {  	s29 =	sadd.s32 $0x100, s29;
	s30 =	sadd.s32 s30, s25  }
0x6c: {  	p1 =	seq.s32 s22, $0x7  }
.Ltmp8:
0x6d: {  	_ = 	snop;
	(pc) =	sbr.rel @p1 .LBB2_20-.Ltmp8, $2  }
0x6e: {  	_ =	sdelay $0x2  }
0x6f: {  	[hbm4b:s30+s2] =	stream.linear.scatter [tilespmem:s28], [sflag:$0x5], $0x80, $0x38;
	[tilespmem:$0x18000] =	vst v63  }
0x70: {  	s25 =	sadd.s32 s13, s23  }
0x71: {  	s25 =	sshll.u32 s25, $0x7  }
0x72: {  	s28 =	simm.s32 $0x0;
	s26 =	sadd.s32 s25, s6  }
0x73: {  	s29 =	simm.s32 $0x10;
	s30 =	simm.s32 $0x100;
	s31 =	sadd.s32 $0x0, s26  }
.LBB2_16:
0x74: {  	[tilespmem:s28], [sflag:$0x1] =	stream.linear.gather [hbm4b:s31+s2], $0x80, $0x38;
	[tilespmem:$0x18000] =	vst v63  }
0x75: {  	s31 =	smov.u32 s29;
	s28 =	smov.u32 s30;
	p2 =	sne.s32 s29, $0x7F0  }
.Ltmp9:
0x76: {  	s29 =	sadd.s32 $0x10, s29;
	(pc) =	sbr.rel @p2 .LBB2_16-.Ltmp9, $2  }
0x77: {  	_ =	sdelay $0x2  }
0x78: {  	s30 =	sadd.s32 $0x100, s30;
	s31 =	sadd.s32 s31, s26  }
0x79: {  	[tilespmem:s28], [sflag:$0x1] =	stream.linear.gather [hbm4b:s31+s2], $0x80, $0x38;
	[tilespmem:$0x18000] =	vst v63  }
0x7a: {  	s25 =	sadd.s32 s3, s25;
	s26 =	simm.s32 $0x8000  }
0x7b: {  	s28 =	simm.s32 $0x10;
	s29 =	simm.s32 $0x8100;
	s30 =	sadd.s32 $0x0, s25  }
.LBB2_18:
0x7c: {  	[tilespmem:s26], [sflag:$0x3] =	stream.linear.gather [hbm4b:s30+s2], $0x80, $0x38;
	[tilespmem:$0x18000] =	vst v63  }
0x7d: {  	s30 =	smov.u32 s28;
	s26 =	smov.u32 s29;
	p2 =	sne.s32 s28, $0x7F0  }
.Ltmp10:
0x7e: {  	s28 =	sadd.s32 $0x10, s28;
	(pc) =	sbr.rel @p2 .LBB2_18-.Ltmp10, $2  }
0x7f: {  	_ =	sdelay $0x2  }
0x80: {  	s29 =	sadd.s32 $0x100, s29;
	s30 =	sadd.s32 s30, s25  }
0x81: {  	[tilespmem:s26], [sflag:$0x3] =	stream.linear.gather [hbm4b:s30+s2], $0x80, $0x38;
	[tilespmem:$0x18000] =	vst v63  }
.LBB2_20:
0x82: {  	_ =	swait.ge [sflag:s17], $0x4000  }
0x83: {  	[sflag:s17] =	ssyncset.done $0x0  }
0x84: {  	[sflag:s17] =	ssyncadd.s32 $0xFFFFC000  }
0x85: {  	_ =	swait.ge [sflag:s18], $0x4000  }
0x86: {  	[sflag:s18] =	ssyncset.done $0x0  }
0x87: {  	s25 =	simm.s32 @!p0 $0x6;
	[sflag:s18] =	ssyncadd.s32 $0xFFFFC000  }
0x88: {  	_ =	swait.ge @!p0 [sflag:s25], $0x4000  }
0x89: {  	[sflag:s25] =	ssyncset.done @!p0 $0x0  }
0x8a: {  	s26 =	simm.s32 $0xF0;
	[sflag:s25] =	ssyncadd.s32 @!p0 $0xFFFFC000  }
0x8b: {  	v0 =	vld [tilespmem:s26+$0x0]  }
0x8c: {  	s25 =	simm.s32 $0x80F0;
	v1 =	vld [tilespmem:s26+$0xFFFFFFA0]  }
0x8d: {  	v2 =	vld [tilespmem:s25+$0x0]  }
0x8e: {  	v3 =	vld [tilespmem:s26+$0xFFFFFFB0]  }
0x8f: {  	v4 =	vld [tilespmem:s26+$0xFFFFFFC0]  }
0x90: {  	v8 =	vld [tilespmem:s26+$0xFFFFFFD0]  }
0x91: {  	v9 =	vld [tilespmem:s26+$0xFFFFFFE0]  }
0x92: {  	v10 =	vld [tilespmem:s26+$0xFFFFFFF0]  }
0x93: {  	v7 =	vld [tilespmem:s26+$0xFFFFFF90]  }
0x94: {  	v11 =	vld [tilespmem:s25+$0xFFFFFF90]  }
0x95: {  	v12 =	vld [tilespmem:s25+$0xFFFFFFA0]  }
0x96: {  	v6 =	vld [tilespmem:s25+$0xFFFFFFB0];
	v0 =	vmul.f32 $3.200000000e+01, v0  }
0x97: {  	v5 =	vld [tilespmem:s25+$0xFFFFFFC0];
	v13 =	vmul.f32 $3.200000000e+01, v1;
	v1 =	vmul.f32 $3.200000000e+01, v3  }
0x98: {  	v14 =	vmul.f32 $3.200000000e+01, v7;
	v7 =	vld [tilespmem:s25+$0xFFFFFFD0];
	v3 =	vadd.f32 v2, v0;
	v2 =	vmul.f32 $3.200000000e+01, v4  }
0x99: {  	s26 =	simm.s32 $0x100F0;
	v4 =	vmul.f32 $3.200000000e+01, v8;
	v0 =	vmul.f32 $3.200000000e+01, v9;
	v8 =	vld [tilespmem:s25+$0xFFFFFFE0]  }
0x9a: {  	s28 =	simm.s32 $0x0;
	s29 =	simm.s32 $0x1F0;
	v11 =	vadd.f32 v11, v14;
	v9 =	vld [tilespmem:s25+$0xFFFFFFF0];
	[tilespmem:s26+$0x0] =	vst v3;
	v3 =	vmul.f32 $3.200000000e+01, v10;
	v10 =	vadd.f32 v12, v13  }
.LBB2_21:
0x9b: {  	v12 =	vld [tilespmem:s29+$0x0];
	s28 =	sadd.s32 $0x80, s28;
	v1 =	vadd.f32 v6, v1  }
0x9c: {  	s25 =	sadd.s32 $0x100, s25;
	v6 =	vld [tilespmem:s29+$0xFFFFFFA0];
	p0 =	slt.u32 s28, $0x3F80;
	[tilespmem:s26+$0xFFFFFF90] =	vst v11;
	v2 =	vadd.f32 v5, v2  }
0x9d: {  	v5 =	vld [tilespmem:s25+$0x0];
	[tilespmem:s26+$0xFFFFFFA0] =	vst v10;
	v4 =	vadd.f32 v7, v4  }
0x9e: {  	v7 =	vld [tilespmem:s29+$0xFFFFFFB0];
	[tilespmem:s26+$0xFFFFFFB0] =	vst v1;
	v0 =	vadd.f32 v8, v0  }
0x9f: {  	v8 =	vld [tilespmem:s29+$0xFFFFFFC0];
	[tilespmem:s26+$0xFFFFFFC0] =	vst v2;
	v1 =	vadd.f32 v9, v3  }
0xa0: {  	v3 =	vld [tilespmem:s29+$0xFFFFFFD0];
	v2 =	vmul.f32 $3.200000000e+01, v12;
	[tilespmem:s26+$0xFFFFFFD0] =	vst v4  }
0xa1: {  	v9 =	vmul.f32 $3.200000000e+01, v6;
	v10 =	vld [tilespmem:s29+$0xFFFFFFE0];
	[tilespmem:s26+$0xFFFFFFE0] =	vst v0  }
0xa2: {  	v11 =	vld [tilespmem:s29+$0xFFFFFFF0];
	v0 =	vadd.f32 v5, v2;
	[tilespmem:s26+$0xFFFFFFF0] =	vst v1  }
0xa3: {  	s26 =	sadd.s32 $0x100, s26;
	v12 =	vld [tilespmem:s29+$0xFFFFFF90];
	v1 =	vmul.f32 $3.200000000e+01, v7  }
0xa4: {  	v13 =	vld [tilespmem:s25+$0xFFFFFF90];
	v2 =	vmul.f32 $3.200000000e+01, v8;
	[tilespmem:s26+$0x0] =	vst v0  }
0xa5: {  	v14 =	vld [tilespmem:s25+$0xFFFFFFA0];
	v4 =	vmul.f32 $3.200000000e+01, v3  }
.Ltmp11:
0xa6: {  	v6 =	vld [tilespmem:s25+$0xFFFFFFB0];
	v0 =	vmul.f32 $3.200000000e+01, v10;
	(pc) =	sbr.rel @p0 .LBB2_21-.Ltmp11, $4  }
0xa7: {  	v5 =	vld [tilespmem:s25+$0xFFFFFFC0];
	v3 =	vmul.f32 $3.200000000e+01, v11  }
0xa8: {  	v10 =	vmul.f32 $3.200000000e+01, v12;
	v7 =	vld [tilespmem:s25+$0xFFFFFFD0]  }
0xa9: {  	v8 =	vld [tilespmem:s25+$0xFFFFFFE0]  }
0xaa: {  	s29 =	sadd.s32 $0x100, s29;
	v11 =	vadd.f32 v13, v10;
	v10 =	vadd.f32 v14, v9;
	v9 =	vld [tilespmem:s25+$0xFFFFFFF0]  }
0xab: {  	_ = 	snop  }
0xac: {  	v1 =	vadd.f32 v6, v1;
	[tilespmem:s26+$0xFFFFFF90] =	vst v11  }
0xad: {  	v2 =	vadd.f32 v5, v2;
	[tilespmem:s26+$0xFFFFFFA0] =	vst v10  }
0xae: {  	v4 =	vadd.f32 v7, v4;
	[tilespmem:s26+$0xFFFFFFB0] =	vst v1  }
0xaf: {  	v0 =	vadd.f32 v8, v0;
	[tilespmem:s26+$0xFFFFFFC0] =	vst v2  }
0xb0: {  	v63 =	vadd.f32 v9, v3;
	[tilespmem:s26+$0xFFFFFFD0] =	vst v4  }
0xb1: {  	s24 =	sadd.s32 s24, s11;
	s25 =	simm.s32 $0x10080;
	[tilespmem:s26+$0xFFFFFFE0] =	vst v0  }
0xb2: {  	s28 =	simm.s32 $0x10180;
	s29 =	sadd.s32 $0x0, s24;
	[tilespmem:s26+$0xFFFFFFF0] =	vst v63;
	s26 =	simm.s32 $0x10  }
.LBB2_23:
0xb3: {  	[hbm4b:s29+s2] =	stream.linear.scatter [tilespmem:s25], [sflag:$0x6], $0x80, $0x38;
	[tilespmem:$0x18000] =	vst v63  }
0xb4: {  	s29 =	smov.u32 s26;
	s25 =	smov.u32 s28;
	p0 =	sne.s32 s26, $0x7F0  }
.Ltmp12:
0xb5: {  	s26 =	sadd.s32 $0x10, s26;
	(pc) =	sbr.rel @p0 .LBB2_23-.Ltmp12, $2  }
0xb6: {  	_ =	sdelay $0x2  }
0xb7: {  	s28 =	sadd.s32 $0x100, s28;
	s29 =	sadd.s32 s29, s24  }
.Ltmp13:
0xb8: {  	(pc) =	sbr.rel @p1 .LBB2_30-.Ltmp13, $2  }
0xb9: {  	_ =	sdelay $0x2  }
0xba: {  	[hbm4b:s29+s2] =	stream.linear.scatter [tilespmem:s25], [sflag:$0x6], $0x80, $0x38;
	[tilespmem:$0x18000] =	vst v63  }
0xbb: {  	s23 =	sadd.s32 s14, s23  }
0xbc: {  	s23 =	sshll.u32 s23, $0x7  }
0xbd: {  	s25 =	simm.s32 $0x80;
	s24 =	sadd.s32 s23, s6  }
0xbe: {  	s26 =	simm.s32 $0x10;
	s28 =	simm.s32 $0x180;
	s29 =	sadd.s32 $0x0, s24  }
.LBB2_26:
0xbf: {  	[tilespmem:s25], [sflag:$0x2] =	stream.linear.gather [hbm4b:s29+s2], $0x80, $0x38;
	[tilespmem:$0x18000] =	vst v63  }
0xc0: {  	s29 =	smov.u32 s26;
	s25 =	smov.u32 s28;
	p0 =	sne.s32 s26, $0x7F0  }
.Ltmp14:
0xc1: {  	s26 =	sadd.s32 $0x10, s26;
	(pc) =	sbr.rel @p0 .LBB2_26-.Ltmp14, $2  }
0xc2: {  	_ =	sdelay $0x2  }
0xc3: {  	s28 =	sadd.s32 $0x100, s28;
	s29 =	sadd.s32 s29, s24  }
0xc4: {  	[tilespmem:s25], [sflag:$0x2] =	stream.linear.gather [hbm4b:s29+s2], $0x80, $0x38;
	[tilespmem:$0x18000] =	vst v63  }
0xc5: {  	s23 =	sadd.s32 s3, s23;
	s24 =	simm.s32 $0x8080  }
0xc6: {  	s25 =	simm.s32 $0x10;
	s26 =	simm.s32 $0x8180;
	s28 =	sadd.s32 $0x0, s23  }
.LBB2_28:
0xc7: {  	[tilespmem:s24], [sflag:$0x4] =	stream.linear.gather [hbm4b:s28+s2], $0x80, $0x38;
	[tilespmem:$0x18000] =	vst v63  }
0xc8: {  	s28 =	smov.u32 s25;
	s24 =	smov.u32 s26;
	p0 =	sne.s32 s25, $0x7F0  }
.Ltmp15:
0xc9: {  	s25 =	sadd.s32 $0x10, s25;
	(pc) =	sbr.rel @p0 .LBB2_28-.Ltmp15, $2  }
0xca: {  	_ =	sdelay $0x2  }
0xcb: {  	s26 =	sadd.s32 $0x100, s26;
	s28 =	sadd.s32 s28, s23  }
.Ltmp16:
0xcc: {  	(pc) =	sbr.rel .LBB2_10-.Ltmp16, $3  }
0xcd: {  	_ =	sdelay $0x1  }
0xce: {  	[tilespmem:s24], [sflag:$0x4] =	stream.linear.gather [hbm4b:s28+s2], $0x80, $0x38;
	[tilespmem:$0x18000] =	vst v63  }
0xcf: {  	s22 =	sadd.s32 $0x1, s22  }
.LBB2_31:
0xd0: {  	_ =	sfence.sel $0x180000  }
0xd1: {  	[bflag:$0x0] =	sbarrier.arrive $0xFFFF  }
0xd2: {  	p0 =	sne.s32 s1, $0x0;
	_ =	strace $0x9000004D  }
0xd3: {  	s0 =	sadd.s32 @!p0 $0x100000, s0;
	[bflag:$0x2] =	sbarrier.arrive $0xFFFF  }
0xd4: {  	[sflag:s0] =	ssyncadd.tile.s32 @!p0 $0x1;
	_ =	shalt  }
.Lfunc_end2:
_tile_overlayer_lowered:
.L_overlay_start_2:
0xd5: {  	(tag) =	ssettag $0x2  }
0xd6: {  	s0 =	rddreg [dreg:$0x0];
	s2 =	stileid.u32  }
0xd7: {  	s1 =	rddreg [dreg:$0x1];
	p0 =	sne.s32 s2, $0x0  }
0xd8: {  	s3 =	rddreg [dreg:$0x2];
	[bflag:$0x3] =	sbarrier.arrive $0xFFFF;
	s2 =	simm.s32 @!p0 $0x1C07  }
0xd9: {  	[timem:s3], [sflag:s2] =	dma.local @!p0 [hbm:s0], s1  }
0xda: {  	s0 =	simm.s32 @!p0 $0x7  }
0xdb: {  	_ =	swait.ge @!p0 [sflag:s0], s1  }
0xdc: {  	s1 =	ssub.s32 @!p0 $0x0, s1;
	[sflag:s0] =	ssyncset.done @!p0 $0x0  }
0xdd: {  	[sflag:s0] =	ssyncadd.s32 @!p0 s1  }
0xde: {  	[bflag:$0x3] =	sbarrier.arrive $0xFFFF  }
0xdf: {  	_ =	shalt  }

// kernel: sparse-core-data-format-call.1.cloned.1.call-start
scs
called_computation.1_lowered:
.L_overlay_start_0:
0x0: {  	s2 =	sld [smem:$0x3FD9]  }
0x1: {  	s3 =	sld [smem:$0x3FFE];
	_ =	sdelay $0x1  }
0x2: {  	s1 =	srdreg.scid  }
0x3: {  	s0 =	sand.u32 $0x1, s1  }
0x4: {  	s19 =	sshll.u32 s0, $0xA;
	s2 =	sadd.s32 s3, s2  }
0x5: {  	s2 =	sadd.s32 s2, s19  }
0x6: {  	[smem:$0x3FC6] =	sst s2  }
0x7: {  	_ = 	snop  }
0x8: {  	s20 =	sld [smem:$0x3FC9]  }
0x9: {  	s4 =	sld [smem:$0x3FD0];
	(tm) =	ssettm $0x1  }
0xa: {  	s21 =	sld [smem:$0x3FFB];
	_ =	sdelay $0x3  }
0xb: {  	_ =	strace s21  }
0xc: {  	s2 =	sld [smem:$0x3FFC];
	_ =	sdelay $0x3  }
0xd: {  	_ =	strace s2  }
0xe: {  	s2 =	sld [smem:$0x3FFD];
	_ =	sdelay $0x3  }
0xf: {  	_ =	strace s2  }
0x10: {  	_ =	strace $0x8FFFFFFF  }
0x11: {  	s22 =	sld [smem:$0x3FDB];
	_ =	sdelay $0x1  }
0x12: {  	s5 =	simm.s32 $_scs_section_size  }
0x13: {  	s6 =	simm.s32 $_size__tile_overlayer_lowered;
	s7 =	simm.s32 $_tile_overlayer_lowered  }
0x14: {  	s8 =	simm.s32 $0x1BFF;
	s23 =	sshll.u32 s7, $0x1;
	s5 =	sadd.s32 s5, s22  }
0x15: {  	s24 =	simm.s32 $0x0;
	s6 =	sshll.u32 s6, $0x1;
	s7 =	sadd.s32 s23, s5  }
0x16: {  	[timem:s24], [sflag:s8] =	dma.local [hbm:s7], s6  }
0x17: {  	_ =	swait.ge [sflag:s8], s6  }
0x18: {  	s6 =	ssub.s32 $0x0, s6;
	[sflag:s8] =	ssyncset.done $0x0  }
0x19: {  	[sflag:s8] =	ssyncadd.s32 s6;
	_ =	sdelay $0x1  }
0x1a: {  	s25 =	simm.s32 $0x1B8B  }
0x1b: {  	_ =	swait.ge [sflag:s25], $0x1  }
0x1c: {  	[sflag:s25] =	ssyncset.done $0x0  }
0x1d: {  	[sflag:s25] =	ssyncadd.s32 $0xFFFFFFFF  }
0x1e: {  	s6 =	sld [smem:$0x0]  }
0x1f: {  	s7 =	sand.u32 $0xFFFFFFFE, s1  }
0x20: {  	p0 =	sne.s32 s1, s7  }
0x21: {  	s7 =	sshll.u32 @p0 s7, $0xE  }
0x22: {  	s7 =	sadd.s32 @p0 $0x11B8D, s7;
	s8 =	sshll.u32 @p0 s6, $0x11  }
0x23: {  	s7 =	sor.u32 @p0 s8, s7  }
0x24: {  	[sflag:s7] =	ssyncadd.remote.s32 @p0 $0x1;
	_ =	sdelay $0x1  }
0x25: {  	s7 =	simm.s32 @p0 $0x1B8D  }
0x26: {  	_ =	swait.eq @p0 [sflag:s7], $0x1  }
0x27: {  	[sflag:s7] =	ssyncadd.s32 @p0 $0xFFFFFFFF  }
0x28: {  	s8 =	sshll.u32 @!p0 s1, $0xE  }
0x29: {  	s8 =	sor.u32 @!p0 $0x4000, s8;
	s7 =	simm.s32 @!p0 $0x1B8D  }
0x2a: {  	s6 =	sshll.u32 @!p0 s6, $0x11;
	s8 =	sadd.s32 @!p0 $0x11B8D, s8;
	_ =	swait.eq @!p0 [sflag:s7], $0x1  }
0x2b: {  	s6 =	sor.u32 @!p0 s6, s8;
	[sflag:s7] =	ssyncadd.s32 @!p0 $0xFFFFFFFF  }
0x2c: {  	s26 =	simm.s32 $0x1B8E;
	[sflag:s6] =	ssyncadd.remote.s32 @!p0 $0x1  }
0x2d: {  	s27 =	simm.s32 $execute0_lowered;
	[smem:$0x3FD2] =	sst s26  }
0x2e: {  	s6 =	sshll.u32 s27, $0x1;
	_ =	strace $0x80000049;
	[dreg:$0x1] =	wrdreg $0xFFFFFFFF  }
0x2f: {  	s28 =	simm.s32 $_size_execute0_lowered;
	s5 =	sadd.s32 s5, s6;
	[dreg:$0x0] =	wrdreg $0x0  }
0x30: {  	s6 =	sshll.u32 s28, $0x1;
	[dreg:$0x2] =	wrdreg s5  }
0x31: {  	[dreg:$0x3] =	wrdreg s6  }
0x32: {  	[dreg:$0x4] =	wrdreg $0xC0  }
0x33: {  	_ =	task [dreg:s24], $0x5FFFF  }
0x34: {  	[dreg:$0x1] =	wrdreg $0xFFFFFFFF  }
0x35: {  	[dreg:$0x0] =	wrdreg $0x60  }
0x36: {  	[dreg:$0x2] =	wrdreg s20  }
0x37: {  	[dreg:$0x3] =	wrdreg s4  }
0x38: {  	[dreg:$0x4] =	wrdreg $0xA  }
0x39: {  	_ =	task.clear_ibuf [dreg:s24], $0x5FFFF;
	_ =	strace $0x90000049  }
0x3a: {  	s29 =	simm.s32 $0xA;
	_ =	strace $0x8000004B  }
0x3b: {  	_ =	swait.ge [sflag:s29], $0x1  }
0x3c: {  	[sflag:s29] =	ssyncadd.s32 $0xFFFFFFFF  }
0x3d: {  	_ =	strace $0x9000004B  }
0x3e: {  	_ =	sfence  }
0x3f: {  	s30 =	sld [smem:$0x0];
	_ =	sdelay $0x2  }
0x40: {  	s31 =	sshll.u32 s1, $0xD;
	s1 =	sshrl.u32 s1, $0x2  }
0x41: {  	s4 =	sand.u32 $0x4000, s31;
	s1 =	sadd.s32 s1, s30  }
0x42: {  	s0 =	sor.u32 s4, s0;
	s1 =	sshll.u32 s1, $0x11  }
0x43: {  	s0 =	sor.u32 s1, s0  }
0x44: {  	s0 =	sadd.s32 $0x8F2B, s0  }
0x45: {  	[sflag:s0] =	ssyncadd.remote.s32 $0x1  }
0x46: {  	_ =	sfence.sel $0xFFFF  }
0x47: {  	[dreg:$0x0] =	wrdreg $0xFFFFFFFF;
	(pc) =	sbr.abs _section_cstart, $3  }
0x48: {  	[dreg:$0x1] =	wrdreg $0xFFFFFFFF  }
0x49: {  	_ =	task.clear_ibuf [dreg:s24], $0x2FFFF;
	_ =	strace $0x9FFFFFFF  }
0x4a: {  	(tm) =	ssettm $0x7FFFFFFF  }
0x4b: {  	_ =	shalt  }
tec
execute0_lowered:
.L_overlay_start_1:
0x0: {  	(tag) =	ssettag $0x1  }
0x1: {  	s0 =	srdreg.scid  }
0x2: {  	s1 =	sshll.u32 s0, $0x4  }
0x3: {  	s2 =	rddreg [dreg:$0x0];
	s0 =	stileid.u32;
	s1 =	sand.u32 $0x10, s1  }
0x4: {  	s4 =	rddreg [dreg:$0x1];
	s1 =	sor.u32 s0, s1  }
0x5: {  	s7 =	simm.s32 $0x1;
	s8 =	simm.s32 $0x2;
	s3 =	sshll.u32 s1, $0x1  }
0x6: {  	s9 =	simm.s32 $0x0;
	s12 =	simm.s32 $0x0;
	s6 =	ssub.s32 $0x1000, s3  }
.Ltmp0:
0x7: {  	s11 =	simm.s32 $0x0;
	s5 =	sand.u32 $0x3E, s6;
	(pc) =	sbr.rel .LBB1_1-.Ltmp0, $4  }
0x8: {  	s1 =	rddreg [dreg:$0x2];
	_ =	strace $0x8000004A;
	p0 =	sne.s32 s5, $0x0  }
0x9: {  	s6 =	sshrl.u32 s6, $0x6;
	s5 =	simm.s32 $0x1;
	s7 =	simm.s32 @!p0 $0x0  }
0xa: {  	s10 =	smov.u32 s3;
	[sflag:s5] =	ssyncpa.u1 $0x0;
	s6 =	sadd.s32 s7, s6  }
0xb: {  	[sflag:s8] =	ssyncpa.u1 $0x0;
	s8 =	simm.s32 $0x0;
	s7 =	sadd.s32 $0x1, s6  }
.LBB1_9:
0xc: {  	s14 =	sadd.s32 $0x40, s10  }
0xd: {  	p1 =	sgt.s32 s14, $0xFFF  }
0xe: {  	s14 =	smov.u32 @p1 s3;
	p1 =	sne.s32 s11, s7  }
.Ltmp1:
0xf: {  	p0 =	slt.u32 s11, $0x2;
	(pc) =	sbr.rel @!p1 .LBB1_10-.Ltmp1, $4  }
0x10: {  	s13 =	simm.s32 @!p0 $0x2  }
0x11: {  	s15 =	sadd.s32 $0x1, s11;
	_ =	swait.ge @!p0 [sflag:s13], $0x4000  }
0x12: {  	s12 =	smov.u32 s10;
	s9 =	sadd.s32 $0x4000, s9;
	[sflag:s13] =	ssyncset.done @!p0 $0x0  }
0x13: {  	s11 =	smov.u32 s15;
	s10 =	smov.u32 s14;
	[sflag:s13] =	ssyncadd.s32 @!p0 $0xFFFFC000  }
.LBB1_1:
0x14: {  	p0 =	sge.u32 s11, s6  }
0x15: {  	s13 =	sxor.u32 @!p0 $0xFFFFFFFF, s11  }
0x16: {  	s31 =	sadd.s32 $0xFFFFFFFF, s11;
	s14 =	sshll.u32 @!p0 s10, $0xA;
	s13 =	sshll.u32 @!p0 s13, $0xE  }
0x17: {  	s15 =	simm.s32 @!p0 $0x0;
	s14 =	sadd.s32 @!p0 s2, s14;
	s13 =	sand.u32 @!p0 $0x4000, s13  }
0x18: {  	[tilespmem:s13], [sflag:$0x1] =	stream.linear.gather @!p0 [hbm4b:s14+s15], $0x4000, $0x38;
	[tilespmem:$0x10000] =	vst v63  }
0x19: {  	p0 =	sge.u32 s31, s6  }
.Ltmp2:
0x1a: {  	_ = 	snop;
	(pc) =	sbr.rel @p0 .LBB1_9-.Ltmp2, $1  }
0x1b: {  	_ =	sdelay $0x3  }
0x1c: {  	s13 =	sshll.u32 s9, $0x2  }
0x1d: {  	_ =	swait.ge [sflag:s5], $0x4000;
	s14 =	sshll.u32 s11, $0xE;
	s16 =	simm.s32 $0x0  }
0x1e: {  	p1 =	por $0x1, $0x1;
	s13 =	sand.u32 $0x10000, s13;
	[sflag:s5] =	ssyncset.done $0x0  }
0x1f: {  	s14 =	sand.u32 $0x4000, s14;
	s15 =	sshrl.u32 s13, $0x2;
	[sflag:s5] =	ssyncadd.s32 $0xFFFFC000  }
0x20: {  	s13 =	sor.u32 $0x8000, s14;
	s14 =	sadd.s32 $0x8040, s15;
	s15 =	sadd.s32 $0x40, s15  }
.LBB1_3:
0x21: {  	s16 =	sshll.u32 s16, $0x2  }
0x22: {  	p0 =	por p1, p1;
	s17 =	sshra.s32 s16, $0x2  }
0x23: {  	s18 =	simm.s32 $0x0;
	s16 =	sadd.s32 s17, s14;
	s17 =	sadd.s32 s17, s15  }
.LBB1_4:
0x24: {  	v0 =	vmov s17;
	_ =	sdelay $0x3  }
0x25: {  	s20 =	simm.s32 $0x0  }
0x26: {  	v6 =	vld.idx.msk [tilespmem:v0+s20+$0x30 ss:$0x1], $0xffff  }
0x27: {  	v7 =	vld.idx.msk [tilespmem:v0+s20+$0xFFFFFFC0 ss:$0x1], $0xffff  }
0x28: {  	v5 =	vld.idx.msk [tilespmem:v0+s20+$0xFFFFFFD0 ss:$0x1], $0xffff  }
0x29: {  	v4 =	vld.idx.msk [tilespmem:v0+s20+$0xFFFFFFE0 ss:$0x1], $0xffff  }
0x2a: {  	v3 =	vld.idx.msk [tilespmem:v0+s20+$0xFFFFFFF0 ss:$0x1], $0xffff  }
0x2b: {  	v1 =	vld.idx.msk [tilespmem:v0+s20+$0x0 ss:$0x1], $0xffff  }
0x2c: {  	v2 =	vld.idx.msk [tilespmem:v0+s20+$0x10 ss:$0x1], $0xffff;
	[tilespmem:s16+$0x30] =	vst v6  }
0x2d: {  	s19 =	simm.s32 $0x80;
	s21 =	simm.s32 $0x400;
	[tilespmem:s16+$0xFFFFFFC0] =	vst v7;
	v6 =	vld.idx.msk [tilespmem:v0+s20+$0x20 ss:$0x1], $0xffff;
	s20 =	smov.u32 s16  }
.LBB1_5:
0x2e: {  	p1 =	sne.s32 s21, $0xE00;
	v7 =	vld.idx.msk [tilespmem:v0+s19+$0x30 ss:$0x1], $0xffff;
	[tilespmem:s20+$0xFFFFFFD0] =	vst v5  }
0x2f: {  	v8 =	vld.idx.msk [tilespmem:v0+s19+$0xFFFFFFC0 ss:$0x1], $0xffff;
	[tilespmem:s20+$0xFFFFFFE0] =	vst v4  }
0x30: {  	v5 =	vld.idx.msk [tilespmem:v0+s19+$0xFFFFFFD0 ss:$0x1], $0xffff;
	[tilespmem:s20+$0xFFFFFFF0] =	vst v3  }
.Ltmp3:
0x31: {  	v4 =	vld.idx.msk [tilespmem:v0+s19+$0xFFFFFFE0 ss:$0x1], $0xffff;
	[tilespmem:s20+$0x0] =	vst v1;
	(pc) =	sbr.rel @p1 .LBB1_5-.Ltmp3, $4  }
0x32: {  	v3 =	vld.idx.msk [tilespmem:v0+s19+$0xFFFFFFF0 ss:$0x1], $0xffff;
	[tilespmem:s20+$0x10] =	vst v2  }
0x33: {  	v1 =	vld.idx.msk [tilespmem:v0+s19+$0x0 ss:$0x1], $0xffff;
	[tilespmem:s20+$0x20] =	vst v6;
	s20 =	sadd.s32 $0x400, s20  }
0x34: {  	v2 =	vld.idx.msk [tilespmem:v0+s19+$0x10 ss:$0x1], $0xffff;
	[tilespmem:s20+$0x30] =	vst v7  }
0x35: {  	[tilespmem:s20+$0xFFFFFFC0] =	vst v8;
	v6 =	vld.idx.msk [tilespmem:v0+s19+$0x20 ss:$0x1], $0xffff;
	s19 =	sshra.s32 s21, $0x2;
	s21 =	sadd.s32 $0x200, s21  }
0x36: {  	_ =	sdelay $0x2  }
0x37: {  	[tilespmem:s20+$0xFFFFFFD0] =	vst v5  }
0x38: {  	v56 =	vld.idx.msk [tilespmem:v0+s19+$0x30 ss:$0x1], $0xffff;
	[tilespmem:s20+$0xFFFFFFE0] =	vst v4  }
0x39: {  	v57 =	vld.idx.msk [tilespmem:v0+s19+$0xFFFFFFC0 ss:$0x1], $0xffff;
	[tilespmem:s20+$0xFFFFFFF0] =	vst v3  }
0x3a: {  	v58 =	vld.idx.msk [tilespmem:v0+s19+$0xFFFFFFD0 ss:$0x1], $0xffff;
	[tilespmem:s20+$0x0] =	vst v1  }
0x3b: {  	v59 =	vld.idx.msk [tilespmem:v0+s19+$0xFFFFFFE0 ss:$0x1], $0xffff;
	[tilespmem:s20+$0x10] =	vst v2  }
0x3c: {  	v60 =	vld.idx.msk [tilespmem:v0+s19+$0xFFFFFFF0 ss:$0x1], $0xffff;
	s31 =	sadd.s32 $0x400, s20;
	[tilespmem:s20+$0x20] =	vst v6  }
0x3d: {  	v61 =	vld.idx.msk [tilespmem:v0+s19+$0x0 ss:$0x1], $0xffff;
	[tilespmem:s31+$0x30] =	vst v56  }
0x3e: {  	v62 =	vld.idx.msk [tilespmem:v0+s19+$0x10 ss:$0x1], $0xffff;
	s18 =	sadd.s32 $0x1, s18;
	[tilespmem:s31+$0xFFFFFFC0] =	vst v57  }
0x3f: {  	v63 =	vld.idx.msk [tilespmem:v0+s19+$0x20 ss:$0x1], $0xffff;
	p1 =	sne.s32 s18, $0x8;
	[tilespmem:s31+$0xFFFFFFD0] =	vst v58  }
.Ltmp4:
0x40: {  	[tilespmem:s31+$0xFFFFFFE0] =	vst v59;
	(pc) =	sbr.rel @p1 .LBB1_4-.Ltmp4, $4  }
0x41: {  	[tilespmem:s31+$0xFFFFFFF0] =	vst v60  }
0x42: {  	[tilespmem:s31+$0x0] =	vst v61  }
0x43: {  	[tilespmem:s31+$0x10] =	vst v62  }
0x44: {  	s16 =	sadd.s32 $0x80, s16;
	s17 =	sadd.s32 $0x400, s17;
	[tilespmem:s31+$0x20] =	vst v63  }
.Ltmp5:
0x45: {  	(pc) =	sbr.rel @p0 .LBB1_3-.Ltmp5, $2  }
0x46: {  	_ =	sdelay $0x2  }
0x47: {  	s16 =	simm.s32 $0x2000;
	p1 =	por $0x0, $0x0  }
.Ltmp6:
0x48: {  	(pc) =	sbr.rel .LBB1_9-.Ltmp6, $4  }
0x49: {  	_ = 	snop  }
0x4a: {  	s12 =	sshll.u32 s12, $0xA  }
0x4b: {  	s12 =	sadd.s32 s4, s12  }
0x4c: {  	[hbm4b:s12+s8] =	stream.linear.scatter [tilespmem:s13], [sflag:$0x2], $0x4000, $0x38;
	[tilespmem:$0x10000] =	vst v63  }
.LBB1_10:
0x4d: {  	_ =	sfence.sel $0x180000  }
0x4e: {  	s2 =	simm.s32 $0x1;
	[bflag:$0x0] =	sbarrier.arrive $0xFFFF  }
0x4f: {  	s31 =	simm.s32 $0x2;
	[sflag:s2] =	ssyncpa.u1 $0x1  }
0x50: {  	[sflag:s31] =	ssyncpa.u1 $0x1  }
0x51: {  	p0 =	sne.s32 s0, $0x0;
	_ =	strace $0x9000004A  }
0x52: {  	s0 =	sadd.s32 @!p0 $0x100000, s1;
	[bflag:$0x2] =	sbarrier.arrive $0xFFFF  }
0x53: {  	[sflag:s0] =	ssyncadd.tile.s32 @!p0 $0x1;
	_ =	shalt  }
.Lfunc_end1:
_tile_overlayer_lowered:
.L_overlay_start_2:
0x54: {  	(tag) =	ssettag $0x2  }
0x55: {  	s0 =	rddreg [dreg:$0x0];
	s2 =	stileid.u32  }
0x56: {  	s1 =	rddreg [dreg:$0x1];
	p0 =	sne.s32 s2, $0x0  }
0x57: {  	s3 =	rddreg [dreg:$0x2];
	[bflag:$0x3] =	sbarrier.arrive $0xFFFF;
	s2 =	simm.s32 @!p0 $0x1C01  }
0x58: {  	[timem:s3], [sflag:s2] =	dma.local @!p0 [hbm:s0], s1  }
0x59: {  	s0 =	simm.s32 @!p0 $0x1  }
0x5a: {  	_ =	swait.ge @!p0 [sflag:s0], s1  }
0x5b: {  	s1 =	ssub.s32 @!p0 $0x0, s1;
	[sflag:s0] =	ssyncset.done @!p0 $0x0  }
0x5c: {  	[sflag:s0] =	ssyncadd.s32 @!p0 s1  }
0x5d: {  	[bflag:$0x3] =	sbarrier.arrive $0xFFFF  }
0x5e: {  	_ =	shalt  }

// kernel: sparse-core-data-format-call.cloned.1.call-start
scs
called_computation_lowered:
.L_overlay_start_0:
0x0: {  	s2 =	sld [smem:$0x3FD9]  }
0x1: {  	s3 =	sld [smem:$0x3FFE];
	_ =	sdelay $0x1  }
0x2: {  	s1 =	srdreg.scid  }
0x3: {  	s0 =	sand.u32 $0x1, s1  }
0x4: {  	s18 =	sshll.u32 s0, $0xA;
	s2 =	sadd.s32 s3, s2  }
0x5: {  	s2 =	sadd.s32 s2, s18  }
0x6: {  	[smem:$0x3FC6] =	sst s2  }
0x7: {  	_ = 	snop  }
0x8: {  	s2 =	sld [smem:$0x3FC8];
	(tm) =	ssettm $0x1  }
0x9: {  	s19 =	sld [smem:$0x3FFB];
	_ =	sdelay $0x3  }
0xa: {  	_ =	strace s19  }
0xb: {  	s3 =	sld [smem:$0x3FFC];
	_ =	sdelay $0x3  }
0xc: {  	_ =	strace s3  }
0xd: {  	s3 =	sld [smem:$0x3FFD];
	_ =	sdelay $0x3  }
0xe: {  	_ =	strace s3  }
0xf: {  	_ =	strace $0x8FFFFFFF  }
0x10: {  	s20 =	sld [smem:$0x3FDB];
	_ =	sdelay $0x1  }
0x11: {  	s4 =	simm.s32 $_scs_section_size  }
0x12: {  	s5 =	simm.s32 $_size__tile_overlayer_lowered;
	s6 =	simm.s32 $_tile_overlayer_lowered  }
0x13: {  	s23 =	simm.s32 $0x1BFF;
	s22 =	sshll.u32 s6, $0x1;
	s3 =	sadd.s32 s4, s20  }
0x14: {  	s7 =	simm.s32 $0x0;
	s21 =	sshll.u32 s5, $0x1;
	s5 =	sadd.s32 s22, s3  }
0x15: {  	[timem:s7], [sflag:s23] =	dma.local [hbm:s5], s21  }
0x16: {  	_ =	swait.ge [sflag:s23], s21  }
0x17: {  	s4 =	ssub.s32 $0x0, s21;
	[sflag:s23] =	ssyncset.done $0x0  }
0x18: {  	[sflag:s23] =	ssyncadd.s32 s4;
	_ =	sdelay $0x1  }
0x19: {  	s24 =	simm.s32 $0x1B8B  }
0x1a: {  	_ =	swait.ge [sflag:s24], $0x1  }
0x1b: {  	[sflag:s24] =	ssyncset.done $0x0  }
0x1c: {  	s26 =	simm.s32 $0x1B8E;
	s25 =	sld [smem:$0x3FFE];
	[sflag:s24] =	ssyncadd.s32 $0xFFFFFFFF  }
0x1d: {  	s27 =	simm.s32 $execute0_lowered;
	[smem:$0x3FD2] =	sst s26  }
0x1e: {  	s5 =	sshll.u32 s27, $0x1;
	_ =	strace $0x80000046;
	[dreg:$0x1] =	wrdreg $0xFFFFFFFF  }
0x1f: {  	s28 =	simm.s32 $_size_execute0_lowered;
	s3 =	sadd.s32 s3, s5;
	[dreg:$0x0] =	wrdreg $0x0  }
0x20: {  	s5 =	sshll.u32 s28, $0x1;
	[dreg:$0x2] =	wrdreg s3  }
0x21: {  	[dreg:$0x3] =	wrdreg s5  }
0x22: {  	[dreg:$0x4] =	wrdreg $0xC0  }
0x23: {  	_ =	task [dreg:s7], $0x5FFFF  }
0x24: {  	[dreg:$0x1] =	wrdreg $0xFFFFFFFF  }
0x25: {  	[dreg:$0x0] =	wrdreg $0x60  }
0x26: {  	[dreg:$0x2] =	wrdreg s2  }
0x27: {  	[dreg:$0x3] =	wrdreg s25  }
0x28: {  	[dreg:$0x4] =	wrdreg $0x9  }
0x29: {  	_ =	task.clear_ibuf [dreg:s7], $0x5FFFF;
	_ =	strace $0x90000046  }
0x2a: {  	s29 =	simm.s32 $0x9;
	_ =	strace $0x80000048  }
0x2b: {  	_ =	swait.ge [sflag:s29], $0x1  }
0x2c: {  	[sflag:s29] =	ssyncadd.s32 $0xFFFFFFFF  }
0x2d: {  	_ =	strace $0x90000048  }
0x2e: {  	_ =	sfence  }
0x2f: {  	s30 =	sld [smem:$0x0];
	_ =	sdelay $0x2  }
0x30: {  	s31 =	sshll.u32 s1, $0xD;
	s1 =	sshrl.u32 s1, $0x2  }
0x31: {  	s3 =	sand.u32 $0x4000, s31;
	s1 =	sadd.s32 s1, s30  }
0x32: {  	s0 =	sor.u32 s3, s0;
	s1 =	sshll.u32 s1, $0x11  }
0x33: {  	s0 =	sor.u32 s1, s0  }
0x34: {  	s0 =	sadd.s32 $0x8F2B, s0  }
0x35: {  	[sflag:s0] =	ssyncadd.remote.s32 $0x1  }
0x36: {  	_ =	sfence.sel $0xFFFF  }
0x37: {  	[dreg:$0x0] =	wrdreg $0xFFFFFFFF;
	(pc) =	sbr.abs _section_cstart, $3  }
0x38: {  	[dreg:$0x1] =	wrdreg $0xFFFFFFFF  }
0x39: {  	_ =	task.clear_ibuf [dreg:s7], $0x2FFFF;
	_ =	strace $0x9FFFFFFF  }
0x3a: {  	(tm) =	ssettm $0x7FFFFFFF  }
0x3b: {  	_ =	shalt  }
tec
execute0_lowered:
.L_overlay_start_1:
0x0: {  	(tag) =	ssettag $0x1  }
0x1: {  	s0 =	srdreg.scid  }
0x2: {  	s1 =	sshll.u32 s0, $0x4  }
0x3: {  	s2 =	rddreg [dreg:$0x0];
	s0 =	stileid.u32;
	s1 =	sand.u32 $0x10, s1  }
0x4: {  	s4 =	rddreg [dreg:$0x1];
	s7 =	simm.s32 $0x1;
	s1 =	sor.u32 s0, s1  }
0x5: {  	s8 =	simm.s32 $0x2;
	s9 =	simm.s32 $0x0;
	s3 =	sshll.u32 s1, $0x1  }
0x6: {  	s12 =	simm.s32 $0x0;
	s11 =	simm.s32 $0x0;
	s6 =	ssub.s32 $0x400, s3  }
.Ltmp0:
0x7: {  	s4 =	sadd.s32 $0xC00, s4;
	s5 =	sand.u32 $0x3E, s6;
	(pc) =	sbr.rel .LBB1_1-.Ltmp0, $4  }
0x8: {  	s1 =	rddreg [dreg:$0x2];
	_ =	strace $0x80000047;
	p0 =	sne.s32 s5, $0x0  }
0x9: {  	s6 =	sshrl.u32 s6, $0x6;
	s5 =	simm.s32 $0x1;
	s7 =	simm.s32 @!p0 $0x0  }
0xa: {  	s10 =	smov.u32 s3;
	[sflag:s5] =	ssyncpa.u1 $0x0;
	s6 =	sadd.s32 s7, s6  }
0xb: {  	[sflag:s8] =	ssyncpa.u1 $0x0;
	s8 =	simm.s32 $0x0;
	s7 =	sadd.s32 $0x1, s6  }
.LBB1_9:
0xc: {  	s14 =	sadd.s32 $0x40, s10  }
0xd: {  	p1 =	sgt.s32 s14, $0x3FF  }
0xe: {  	s14 =	smov.u32 @p1 s3;
	p1 =	sne.s32 s11, s7  }
.Ltmp1:
0xf: {  	p0 =	slt.u32 s11, $0x2;
	(pc) =	sbr.rel @!p1 .LBB1_10-.Ltmp1, $4  }
0x10: {  	s13 =	simm.s32 @!p0 $0x2  }
0x11: {  	s15 =	sadd.s32 $0x1, s11;
	_ =	swait.ge @!p0 [sflag:s13], $0x4000  }
0x12: {  	s12 =	smov.u32 s10;
	s9 =	sadd.s32 $0x4000, s9;
	[sflag:s13] =	ssyncset.done @!p0 $0x0  }
0x13: {  	s11 =	smov.u32 s15;
	s10 =	smov.u32 s14;
	[sflag:s13] =	ssyncadd.s32 @!p0 $0xFFFFC000  }
.LBB1_1:
0x14: {  	p0 =	sge.u32 s11, s6  }
0x15: {  	s13 =	sxor.u32 @!p0 $0xFFFFFFFF, s11  }
0x16: {  	s31 =	sadd.s32 $0xFFFFFFFF, s11;
	s14 =	sshll.u32 @!p0 s10, $0xA;
	s13 =	sshll.u32 @!p0 s13, $0xE  }
0x17: {  	s15 =	simm.s32 @!p0 $0x0;
	s14 =	sadd.s32 @!p0 s2, s14;
	s13 =	sand.u32 @!p0 $0x4000, s13  }
0x18: {  	[tilespmem:s13], [sflag:$0x1] =	stream.linear.gather @!p0 [hbm4b:s14+s15], $0x4000, $0x38;
	[tilespmem:$0x10000] =	vst v63  }
0x19: {  	p0 =	sge.u32 s31, s6  }
.Ltmp2:
0x1a: {  	_ = 	snop;
	(pc) =	sbr.rel @p0 .LBB1_9-.Ltmp2, $1  }
0x1b: {  	_ =	sdelay $0x3  }
0x1c: {  	s13 =	sshll.u32 s9, $0x2  }
0x1d: {  	_ =	swait.ge [sflag:s5], $0x4000;
	s14 =	sshll.u32 s11, $0xE;
	s16 =	simm.s32 $0x0  }
0x1e: {  	p1 =	por $0x1, $0x1;
	s13 =	sand.u32 $0x10000, s13;
	[sflag:s5] =	ssyncset.done $0x0  }
0x1f: {  	s14 =	sand.u32 $0x4000, s14;
	s15 =	sshrl.u32 s13, $0x2;
	[sflag:s5] =	ssyncadd.s32 $0xFFFFC000  }
0x20: {  	s13 =	sor.u32 $0x8000, s14;
	s14 =	sadd.s32 $0x8040, s15;
	s15 =	sadd.s32 $0x40, s15  }
.LBB1_3:
0x21: {  	s16 =	sshll.u32 s16, $0x2  }
0x22: {  	p0 =	por p1, p1;
	s17 =	sshra.s32 s16, $0x2  }
0x23: {  	s18 =	simm.s32 $0x0;
	s16 =	sadd.s32 s17, s14;
	s17 =	sadd.s32 s17, s15  }
.LBB1_4:
0x24: {  	v0 =	vmov s17;
	_ =	sdelay $0x3  }
0x25: {  	s20 =	simm.s32 $0x0  }
0x26: {  	v6 =	vld.idx.msk [tilespmem:v0+s20+$0x30 ss:$0x1], $0xffff  }
0x27: {  	v7 =	vld.idx.msk [tilespmem:v0+s20+$0xFFFFFFC0 ss:$0x1], $0xffff  }
0x28: {  	v5 =	vld.idx.msk [tilespmem:v0+s20+$0xFFFFFFD0 ss:$0x1], $0xffff  }
0x29: {  	v4 =	vld.idx.msk [tilespmem:v0+s20+$0xFFFFFFE0 ss:$0x1], $0xffff  }
0x2a: {  	v3 =	vld.idx.msk [tilespmem:v0+s20+$0xFFFFFFF0 ss:$0x1], $0xffff  }
0x2b: {  	v1 =	vld.idx.msk [tilespmem:v0+s20+$0x0 ss:$0x1], $0xffff  }
0x2c: {  	v2 =	vld.idx.msk [tilespmem:v0+s20+$0x10 ss:$0x1], $0xffff;
	[tilespmem:s16+$0x30] =	vst v6  }
0x2d: {  	s19 =	simm.s32 $0x80;
	s21 =	simm.s32 $0x400;
	[tilespmem:s16+$0xFFFFFFC0] =	vst v7;
	v6 =	vld.idx.msk [tilespmem:v0+s20+$0x20 ss:$0x1], $0xffff;
	s20 =	smov.u32 s16  }
.LBB1_5:
0x2e: {  	p1 =	sne.s32 s21, $0xE00;
	v7 =	vld.idx.msk [tilespmem:v0+s19+$0x30 ss:$0x1], $0xffff;
	[tilespmem:s20+$0xFFFFFFD0] =	vst v5  }
0x2f: {  	v8 =	vld.idx.msk [tilespmem:v0+s19+$0xFFFFFFC0 ss:$0x1], $0xffff;
	[tilespmem:s20+$0xFFFFFFE0] =	vst v4  }
0x30: {  	v5 =	vld.idx.msk [tilespmem:v0+s19+$0xFFFFFFD0 ss:$0x1], $0xffff;
	[tilespmem:s20+$0xFFFFFFF0] =	vst v3  }
.Ltmp3:
0x31: {  	v4 =	vld.idx.msk [tilespmem:v0+s19+$0xFFFFFFE0 ss:$0x1], $0xffff;
	[tilespmem:s20+$0x0] =	vst v1;
	(pc) =	sbr.rel @p1 .LBB1_5-.Ltmp3, $4  }
0x32: {  	v3 =	vld.idx.msk [tilespmem:v0+s19+$0xFFFFFFF0 ss:$0x1], $0xffff;
	[tilespmem:s20+$0x10] =	vst v2  }
0x33: {  	v1 =	vld.idx.msk [tilespmem:v0+s19+$0x0 ss:$0x1], $0xffff;
	[tilespmem:s20+$0x20] =	vst v6;
	s20 =	sadd.s32 $0x400, s20  }
0x34: {  	v2 =	vld.idx.msk [tilespmem:v0+s19+$0x10 ss:$0x1], $0xffff;
	[tilespmem:s20+$0x30] =	vst v7  }
0x35: {  	[tilespmem:s20+$0xFFFFFFC0] =	vst v8;
	v6 =	vld.idx.msk [tilespmem:v0+s19+$0x20 ss:$0x1], $0xffff;
	s19 =	sshra.s32 s21, $0x2;
	s21 =	sadd.s32 $0x200, s21  }
0x36: {  	_ =	sdelay $0x2  }
0x37: {  	[tilespmem:s20+$0xFFFFFFD0] =	vst v5  }
0x38: {  	v56 =	vld.idx.msk [tilespmem:v0+s19+$0x30 ss:$0x1], $0xffff;
	[tilespmem:s20+$0xFFFFFFE0] =	vst v4  }
0x39: {  	v57 =	vld.idx.msk [tilespmem:v0+s19+$0xFFFFFFC0 ss:$0x1], $0xffff;
	[tilespmem:s20+$0xFFFFFFF0] =	vst v3  }
0x3a: {  	v58 =	vld.idx.msk [tilespmem:v0+s19+$0xFFFFFFD0 ss:$0x1], $0xffff;
	[tilespmem:s20+$0x0] =	vst v1  }
0x3b: {  	v59 =	vld.idx.msk [tilespmem:v0+s19+$0xFFFFFFE0 ss:$0x1], $0xffff;
	[tilespmem:s20+$0x10] =	vst v2  }
0x3c: {  	v60 =	vld.idx.msk [tilespmem:v0+s19+$0xFFFFFFF0 ss:$0x1], $0xffff;
	s31 =	sadd.s32 $0x400, s20;
	[tilespmem:s20+$0x20] =	vst v6  }
0x3d: {  	v61 =	vld.idx.msk [tilespmem:v0+s19+$0x0 ss:$0x1], $0xffff;
	[tilespmem:s31+$0x30] =	vst v56  }
0x3e: {  	v62 =	vld.idx.msk [tilespmem:v0+s19+$0x10 ss:$0x1], $0xffff;
	s18 =	sadd.s32 $0x1, s18;
	[tilespmem:s31+$0xFFFFFFC0] =	vst v57  }
0x3f: {  	v63 =	vld.idx.msk [tilespmem:v0+s19+$0x20 ss:$0x1], $0xffff;
	p1 =	sne.s32 s18, $0x8;
	[tilespmem:s31+$0xFFFFFFD0] =	vst v58  }
.Ltmp4:
0x40: {  	[tilespmem:s31+$0xFFFFFFE0] =	vst v59;
	(pc) =	sbr.rel @p1 .LBB1_4-.Ltmp4, $4  }
0x41: {  	[tilespmem:s31+$0xFFFFFFF0] =	vst v60  }
0x42: {  	[tilespmem:s31+$0x0] =	vst v61  }
0x43: {  	[tilespmem:s31+$0x10] =	vst v62  }
0x44: {  	s16 =	sadd.s32 $0x80, s16;
	s17 =	sadd.s32 $0x400, s17;
	[tilespmem:s31+$0x20] =	vst v63  }
.Ltmp5:
0x45: {  	(pc) =	sbr.rel @p0 .LBB1_3-.Ltmp5, $2  }
0x46: {  	_ =	sdelay $0x2  }
0x47: {  	s16 =	simm.s32 $0x2000;
	p1 =	por $0x0, $0x0  }
.Ltmp6:
0x48: {  	(pc) =	sbr.rel .LBB1_9-.Ltmp6, $4  }
0x49: {  	_ = 	snop  }
0x4a: {  	s12 =	sshll.u32 s12, $0xA  }
0x4b: {  	s12 =	sadd.s32 s4, s12  }
0x4c: {  	[hbm4b:s12+s8] =	stream.linear.scatter [tilespmem:s13], [sflag:$0x2], $0x4000, $0x38;
	[tilespmem:$0x10000] =	vst v63  }
.LBB1_10:
0x4d: {  	_ =	sfence.sel $0x180000  }
0x4e: {  	s2 =	simm.s32 $0x1;
	[bflag:$0x0] =	sbarrier.arrive $0xFFFF  }
0x4f: {  	s31 =	simm.s32 $0x2;
	[sflag:s2] =	ssyncpa.u1 $0x1  }
0x50: {  	[sflag:s31] =	ssyncpa.u1 $0x1  }
0x51: {  	p0 =	sne.s32 s0, $0x0;
	_ =	strace $0x90000047  }
0x52: {  	s0 =	sadd.s32 @!p0 $0x100000, s1;
	[bflag:$0x2] =	sbarrier.arrive $0xFFFF  }
0x53: {  	[sflag:s0] =	ssyncadd.tile.s32 @!p0 $0x1;
	_ =	shalt  }
.Lfunc_end1:
_tile_overlayer_lowered:
.L_overlay_start_2:
0x54: {  	(tag) =	ssettag $0x2  }
0x55: {  	s0 =	rddreg [dreg:$0x0];
	s2 =	stileid.u32  }
0x56: {  	s1 =	rddreg [dreg:$0x1];
	p0 =	sne.s32 s2, $0x0  }
0x57: {  	s3 =	rddreg [dreg:$0x2];
	[bflag:$0x3] =	sbarrier.arrive $0xFFFF;
	s2 =	simm.s32 @!p0 $0x1C01  }
0x58: {  	[timem:s3], [sflag:s2] =	dma.local @!p0 [hbm:s0], s1  }
0x59: {  	s0 =	simm.s32 @!p0 $0x1  }
0x5a: {  	_ =	swait.ge @!p0 [sflag:s0], s1  }
0x5b: {  	s1 =	ssub.s32 @!p0 $0x0, s1;
	[sflag:s0] =	ssyncset.done @!p0 $0x0  }
0x5c: {  	[sflag:s0] =	ssyncadd.s32 @!p0 s1  }
0x5d: {  	[bflag:$0x3] =	sbarrier.arrive $0xFFFF  }
0x5e: {  	_ =	shalt  }

</sc_bundles>
